<compile_context>
chip_gen: v7x
topology: tpu7x:2x2x1
jax: 0.10.2.dev20260603
libtpu: 0.0.44.dev20260713+nightly
codegen_flags: <defaults>
</compile_context>

<pallas_src>
import functools

import jax
import jax.numpy as jnp
from jax import lax
from jax.experimental import pallas as pl
from jax.experimental.pallas import tpu as pltpu
from jax.experimental.pallas import tpu_sc as plsc

NC = 2
NS = 16
NW = NC * NS
CHUNK = 128
NBUF_X = 5
NBUF_C = 2


def _make_ring(table_hbm, idx_v, out_hbm, out_base, buf_v, gsem, osem, nbuf):
    def start_gather(c, b):
        pltpu.make_async_copy(
            table_hbm.at[idx_v.at[pl.ds(c * CHUNK, CHUNK)]],
            buf_v.at[b], gsem.at[b]).start()

    def wait_gather(b):
        pltpu.make_async_copy(
            table_hbm.at[idx_v.at[pl.ds(0, CHUNK)]],
            buf_v.at[b], gsem.at[b]).wait()

    def start_out(c, b):
        pltpu.make_async_copy(
            buf_v.at[b],
            out_hbm.at[pl.ds(out_base + c * CHUNK, CHUNK)],
            osem.at[b]).start()

    def wait_out(b):
        pltpu.make_async_copy(
            buf_v.at[b],
            out_hbm.at[pl.ds(out_base, CHUNK)],
            osem.at[b]).wait()

    def prime():
        for b in range(nbuf):
            start_gather(b, b)

    def run(nchunks):
        ngroups = nchunks // nbuf

        def group_body(g, carry):
            base_c = g * nbuf
            for b in range(nbuf):
                wait_gather(b)
                start_out(base_c + b, b)
                wait_out(b)
                start_gather(base_c + b + nbuf, b)
            return carry

        if ngroups > 1:
            lax.fori_loop(0, ngroups - 1, group_body, 0)

        base_c = (ngroups - 1) * nbuf
        for b in range(nbuf):
            wait_gather(b)
            start_out(base_c + b, b)
        for b in range(nbuf):
            wait_out(b)

    return prime, run


@functools.lru_cache(maxsize=None)
def _build(B, C, V, D):
    assert D % 16 == 0
    n_center = B // NW
    n_ctx = (B * C) // NW
    assert B % NW == 0 and (B * C) % NW == 0
    assert n_center % CHUNK == 0 and n_ctx % CHUNK == 0
    assert (n_center // CHUNK) % NBUF_C == 0
    assert (n_ctx // CHUNK) % NBUF_X == 0

    mesh = plsc.VectorSubcoreMesh(core_axis_name="c", subcore_axis_name="s")

    @functools.partial(
        pl.kernel,
        mesh=mesh,
        out_type=(
            jax.ShapeDtypeStruct((B, D), jnp.float32),
            jax.ShapeDtypeStruct((C * B, D), jnp.float32),
        ),
        scratch_types=[
            pltpu.VMEM((n_center,), jnp.int32),
            pltpu.VMEM((n_ctx,), jnp.int32),
            pltpu.VMEM((NBUF_C, CHUNK, D), jnp.float32),
            pltpu.VMEM((NBUF_X, CHUNK, D), jnp.float32),
            pltpu.SemaphoreType.DMA((NBUF_C,)),
            pltpu.SemaphoreType.DMA((NBUF_C,)),
            pltpu.SemaphoreType.DMA((NBUF_X,)),
            pltpu.SemaphoreType.DMA((NBUF_X,)),
        ],
    )
    def sc_kernel(center_hbm, ctx_hbm, table_hbm, outc_hbm, outx_hbm,
                  idxc_v, idxx_v, bufc_v, bufx_v, cgsem, cosem, xgsem, xosem):
        wid = lax.axis_index("s") * NC + lax.axis_index("c")
        pltpu.sync_copy(center_hbm.at[pl.ds(wid * n_center, n_center)], idxc_v)
        pltpu.sync_copy(ctx_hbm.at[pl.ds(wid * n_ctx, n_ctx)], idxx_v)
        c_prime, c_run = _make_ring(table_hbm, idxc_v, outc_hbm,
                                    wid * n_center, bufc_v, cgsem, cosem,
                                    NBUF_C)
        x_prime, x_run = _make_ring(table_hbm, idxx_v, outx_hbm,
                                    wid * n_ctx, bufx_v, xgsem, xosem,
                                    NBUF_X)
        c_prime()
        x_prime()
        c_run(n_center // CHUNK)
        x_run(n_ctx // CHUNK)

    return sc_kernel


def kernel(center, context, embedding):
    B, C = context.shape
    V, D = embedding.shape
    sc_kernel = _build(B, C, V, D)
    outc, outx = sc_kernel(
        center.astype(jnp.int32),
        context.T.reshape(C * B).astype(jnp.int32),
        embedding,
    )
    return outc, outx.reshape(C, B, D).transpose(1, 0, 2)

# --- scband reference (transcript-rebuilt; emitter-appended) ---
"""Pipeline reference for scband-skip-gram-embeddings-88459146428951 (READ-ONLY COPY).

The authoritative reference and input builder live on the scoring server;
editing this copy changes nothing except your own understanding.
"""

import jax, jax.numpy as jnp
import numpy as np

VOCAB = 100000
EMBED = 128
BATCH = 16384
CTX = 20


def setup_inputs(seed: int = 0) -> dict:
    key = jax.random.key(seed)
    k1, k2, k3 = jax.random.split(key, 3)
    center = jax.random.randint(k1, (BATCH,), 0, VOCAB)
    context = jax.random.randint(k2, (BATCH, CTX), 0, VOCAB)
    embedding = jax.random.normal(k3, (VOCAB, EMBED), dtype=jnp.float32) * 0.02
    return {"center": center, "context": context, "embedding": embedding}


def reference(center, context, embedding):
    # Faithful translation of SkipGramEmbeddings.__call__:
    # word_embeds = embedding.embedding; return (word_embeds[center], word_embeds[context])
    center_embeds = jnp.take(embedding, center, axis=0)
    context_embeds = jnp.take(embedding, context, axis=0)
    return (center_embeds, context_embeds)

if __name__ == "__main__":
    import jax
    _d = setup_inputs()
    print(jax.jit(kernel)(*tuple(_d.values())))

</pallas_src>

<mosaic_0001>
#map = affine_map<(d0, d1) -> (0)>
#map1 = affine_map<(d0, d1) -> (0, 0)>
module attributes {stable_mosaic.version = 14 : i64} {
  func.func @sc_kernel(%arg0: i32, %arg1: i32, %arg2: memref<16384xi32, #tpu.memory_space<hbm>>, %arg3: memref<327680xi32, #tpu.memory_space<hbm>>, %arg4: memref<100000x128xf32, #tpu.memory_space<hbm>>, %arg5: memref<16384x128xf32, #tpu.memory_space<hbm>>, %arg6: memref<327680x128xf32, #tpu.memory_space<hbm>>, %arg7: memref<512xi32, #tpu.memory_space<vmem>>, %arg8: memref<10240xi32, #tpu.memory_space<vmem>>, %arg9: memref<2x128x128xf32, #tpu.memory_space<vmem>>, %arg10: memref<5x128x128xf32, #tpu.memory_space<vmem>>, %arg11: memref<2x!tpu.dma_semaphore, #tpu.memory_space<semaphore_mem>>, %arg12: memref<2x!tpu.dma_semaphore, #tpu.memory_space<semaphore_mem>>, %arg13: memref<5x!tpu.dma_semaphore, #tpu.memory_space<semaphore_mem>>, %arg14: memref<5x!tpu.dma_semaphore, #tpu.memory_space<semaphore_mem>>) attributes {dimension_semantics = [#tpu.dimension_semantics<core_parallel>, #tpu.dimension_semantics<subcore_parallel>], iteration_bounds = array<i64: 2, 16>, scalar_prefetch = 0 : i64, scratch_operands = 8 : i64, tpu.core_type = #tpu.core_type<sc_vector_subcore>, window_params = [{transform_indices = #map}, {transform_indices = #map}, {transform_indices = #map1}, {transform_indices = #map1}, {transform_indices = #map1}]} {
    %mul3A = arith.constant 2 : i32
    %mul3A_0 = arith.muli %arg1, %mul3A : i32
    %add3A = arith.addi %mul3A_0, %arg0 : i32
    %mul3A_1 = arith.constant 512 : i32
    %mul3A_2 = arith.muli %add3A, %mul3A_1 : i32
    "tpu.region"() ({
      %run_scoped3A = tpu.sem_alloc : memref<!tpu.dma_semaphore, #tpu.memory_space<semaphore_mem>>
      %dma_start3A_573 = tpu.memref_slice %arg2[%mul3A_2] : memref<16384xi32, #tpu.memory_space<hbm>> -> memref<512xi32, #tpu.memory_space<hbm>>
      %dma_start3A_574 = tpu.memref_slice %arg2[%mul3A_2] : memref<16384xi32, #tpu.memory_space<hbm>> -> memref<512xi32, #tpu.memory_space<hbm>>
      tpu.enqueue_dma source(%dma_start3A_574 : memref<512xi32, #tpu.memory_space<hbm>>) target(%arg7 : memref<512xi32, #tpu.memory_space<vmem>>) target_semaphore(%run_scoped3A : memref<!tpu.dma_semaphore, #tpu.memory_space<semaphore_mem>>)
      %dma_wait3A_575 = tpu.memref_slice %arg2[%mul3A_2] : memref<16384xi32, #tpu.memory_space<hbm>> -> memref<512xi32, #tpu.memory_space<hbm>>
      %dma_wait3A_576 = tpu.memref_slice %arg2[%mul3A_2] : memref<16384xi32, #tpu.memory_space<hbm>> -> memref<512xi32, #tpu.memory_space<hbm>>
      tpu.wait_dma2 semaphore(%run_scoped3A : memref<!tpu.dma_semaphore, #tpu.memory_space<semaphore_mem>>) src(%dma_wait3A_576 : memref<512xi32, #tpu.memory_space<hbm>>) dst(%arg7 : memref<512xi32, #tpu.memory_space<vmem>>)
      tpu.yield
    }) : () -> ()
    %mul3A_3 = arith.constant 10240 : i32
    %mul3A_4 = arith.muli %add3A, %mul3A_3 : i32
    "tpu.region"() ({
      %run_scoped3A = tpu.sem_alloc : memref<!tpu.dma_semaphore, #tpu.memory_space<semaphore_mem>>
      %dma_start3A_573 = tpu.memref_slice %arg3[%mul3A_4] : memref<327680xi32, #tpu.memory_space<hbm>> -> memref<10240xi32, #tpu.memory_space<hbm>>
      %dma_start3A_574 = tpu.memref_slice %arg3[%mul3A_4] : memref<327680xi32, #tpu.memory_space<hbm>> -> memref<10240xi32, #tpu.memory_space<hbm>>
      tpu.enqueue_dma source(%dma_start3A_574 : memref<10240xi32, #tpu.memory_space<hbm>>) target(%arg8 : memref<10240xi32, #tpu.memory_space<vmem>>) target_semaphore(%run_scoped3A : memref<!tpu.dma_semaphore, #tpu.memory_space<semaphore_mem>>)
      %dma_wait3A_575 = tpu.memref_slice %arg3[%mul3A_4] : memref<327680xi32, #tpu.memory_space<hbm>> -> memref<10240xi32, #tpu.memory_space<hbm>>
      %dma_wait3A_576 = tpu.memref_slice %arg3[%mul3A_4] : memref<327680xi32, #tpu.memory_space<hbm>> -> memref<10240xi32, #tpu.memory_space<hbm>>
      tpu.wait_dma2 semaphore(%run_scoped3A : memref<!tpu.dma_semaphore, #tpu.memory_space<semaphore_mem>>) src(%dma_wait3A_576 : memref<10240xi32, #tpu.memory_space<hbm>>) dst(%arg8 : memref<10240xi32, #tpu.memory_space<vmem>>)
      tpu.yield
    }) : () -> ()
    %mul3A_5 = arith.constant 512 : i32
    %mul3A_6 = arith.muli %add3A, %mul3A_5 : i32
    %mul3A_7 = arith.constant 10240 : i32
    %mul3A_8 = arith.muli %add3A, %mul3A_7 : i32
    %dma_start3A = arith.constant 0 : i32
    %dma_start3A_9 = arith.constant 0 : i32
    %dma_start3A_10 = arith.constant 0 : i32
    %dma_start3A_11 = arith.constant 0 : i32
    %dma_start3A_12 = tpu.memref_slice %arg9[%dma_start3A, %dma_start3A_10, %dma_start3A_11] : memref<2x128x128xf32, #tpu.memory_space<vmem>> -> memref<1x128x128xf32, #tpu.memory_space<vmem>>
    %dma_start3A_13 = tpu.memref_squeeze %dma_start3A_12 : memref<1x128x128xf32, #tpu.memory_space<vmem>> -> memref<128x128xf32, #tpu.memory_space<vmem>>
    %dma_start3A_14 = arith.constant 0 : i32
    %dma_start3A_15 = tpu.memref_slice %arg7[%dma_start3A_14] : memref<512xi32, #tpu.memory_space<vmem>> -> memref<128xi32, #tpu.memory_space<vmem>>
    %dma_start3A_16 = arith.constant 0 : i32
    %dma_start3A_17 = arith.constant 0 : i32
    %dma_start3A_18 = tpu.memref_slice %arg4[%dma_start3A_16, %dma_start3A_17] : memref<100000x128xf32, #tpu.memory_space<hbm>> -> memref<100000x128xf32, #tpu.memory_space<hbm>>
    %dma_start3A_19 = tpu.memref_slice %arg11[%dma_start3A_9] : memref<2x!tpu.dma_semaphore, #tpu.memory_space<semaphore_mem>> -> memref<1x!tpu.dma_semaphore, #tpu.memory_space<semaphore_mem>>
    %dma_start3A_20 = tpu.memref_squeeze %dma_start3A_19 : memref<1x!tpu.dma_semaphore, #tpu.memory_space<semaphore_mem>> -> memref<!tpu.dma_semaphore, #tpu.memory_space<semaphore_mem>>
    tpu.enqueue_indirect_dma source(%dma_start3A_18 : memref<100000x128xf32, #tpu.memory_space<hbm>>) target(%dma_start3A_13 : memref<128x128xf32, #tpu.memory_space<vmem>>) offsets(%dma_start3A_15 : memref<128xi32, #tpu.memory_space<vmem>>) semaphore(%dma_start3A_20 : memref<!tpu.dma_semaphore, #tpu.memory_space<semaphore_mem>>)
    %dma_start3A_21 = arith.constant 1 : i32
    %dma_start3A_22 = arith.constant 1 : i32
    %dma_start3A_23 = arith.constant 0 : i32
    %dma_start3A_24 = arith.constant 0 : i32
    %dma_start3A_25 = tpu.memref_slice %arg9[%dma_start3A_21, %dma_start3A_23, %dma_start3A_24] : memref<2x128x128xf32, #tpu.memory_space<vmem>> -> memref<1x128x128xf32, #tpu.memory_space<vmem>>
    %dma_start3A_26 = tpu.memref_squeeze %dma_start3A_25 : memref<1x128x128xf32, #tpu.memory_space<vmem>> -> memref<128x128xf32, #tpu.memory_space<vmem>>
    %dma_start3A_27 = arith.constant 128 : i32
    %dma_start3A_28 = tpu.memref_slice %arg7[%dma_start3A_27] : memref<512xi32, #tpu.memory_space<vmem>> -> memref<128xi32, #tpu.memory_space<vmem>>
    %dma_start3A_29 = arith.constant 0 : i32
    %dma_start3A_30 = arith.constant 0 : i32
    %dma_start3A_31 = tpu.memref_slice %arg4[%dma_start3A_29, %dma_start3A_30] : memref<100000x128xf32, #tpu.memory_space<hbm>> -> memref<100000x128xf32, #tpu.memory_space<hbm>>
    %dma_start3A_32 = tpu.memref_slice %arg11[%dma_start3A_22] : memref<2x!tpu.dma_semaphore, #tpu.memory_space<semaphore_mem>> -> memref<1x!tpu.dma_semaphore, #tpu.memory_space<semaphore_mem>>
    %dma_start3A_33 = tpu.memref_squeeze %dma_start3A_32 : memref<1x!tpu.dma_semaphore, #tpu.memory_space<semaphore_mem>> -> memref<!tpu.dma_semaphore, #tpu.memory_space<semaphore_mem>>
    tpu.enqueue_indirect_dma source(%dma_start3A_31 : memref<100000x128xf32, #tpu.memory_space<hbm>>) target(%dma_start3A_26 : memref<128x128xf32, #tpu.memory_space<vmem>>) offsets(%dma_start3A_28 : memref<128xi32, #tpu.memory_space<vmem>>) semaphore(%dma_start3A_33 : memref<!tpu.dma_semaphore, #tpu.memory_space<semaphore_mem>>)
    %dma_start3A_34 = arith.constant 0 : i32
    %dma_start3A_35 = arith.constant 0 : i32
    %dma_start3A_36 = arith.constant 0 : i32
    %dma_start3A_37 = arith.constant 0 : i32
    %dma_start3A_38 = tpu.memref_slice %arg10[%dma_start3A_34, %dma_start3A_36, %dma_start3A_37] : memref<5x128x128xf32, #tpu.memory_space<vmem>> -> memref<1x128x128xf32, #tpu.memory_space<vmem>>
    %dma_start3A_39 = tpu.memref_squeeze %dma_start3A_38 : memref<1x128x128xf32, #tpu.memory_space<vmem>> -> memref<128x128xf32, #tpu.memory_space<vmem>>
    %dma_start3A_40 = arith.constant 0 : i32
    %dma_start3A_41 = tpu.memref_slice %arg8[%dma_start3A_40] : memref<10240xi32, #tpu.memory_space<vmem>> -> memref<128xi32, #tpu.memory_space<vmem>>
    %dma_start3A_42 = arith.constant 0 : i32
    %dma_start3A_43 = arith.constant 0 : i32
    %dma_start3A_44 = tpu.memref_slice %arg4[%dma_start3A_42, %dma_start3A_43] : memref<100000x128xf32, #tpu.memory_space<hbm>> -> memref<100000x128xf32, #tpu.memory_space<hbm>>
    %dma_start3A_45 = tpu.memref_slice %arg13[%dma_start3A_35] : memref<5x!tpu.dma_semaphore, #tpu.memory_space<semaphore_mem>> -> memref<1x!tpu.dma_semaphore, #tpu.memory_space<semaphore_mem>>
    %dma_start3A_46 = tpu.memref_squeeze %dma_start3A_45 : memref<1x!tpu.dma_semaphore, #tpu.memory_space<semaphore_mem>> -> memref<!tpu.dma_semaphore, #tpu.memory_space<semaphore_mem>>
    tpu.enqueue_indirect_dma source(%dma_start3A_44 : memref<100000x128xf32, #tpu.memory_space<hbm>>) target(%dma_start3A_39 : memref<128x128xf32, #tpu.memory_space<vmem>>) offsets(%dma_start3A_41 : memref<128xi32, #tpu.memory_space<vmem>>) semaphore(%dma_start3A_46 : memref<!tpu.dma_semaphore, #tpu.memory_space<semaphore_mem>>)
    %dma_start3A_47 = arith.constant 1 : i32
    %dma_start3A_48 = arith.constant 1 : i32
    %dma_start3A_49 = arith.constant 0 : i32
    %dma_start3A_50 = arith.constant 0 : i32
    %dma_start3A_51 = tpu.memref_slice %arg10[%dma_start3A_47, %dma_start3A_49, %dma_start3A_50] : memref<5x128x128xf32, #tpu.memory_space<vmem>> -> memref<1x128x128xf32, #tpu.memory_space<vmem>>
    %dma_start3A_52 = tpu.memref_squeeze %dma_start3A_51 : memref<1x128x128xf32, #tpu.memory_space<vmem>> -> memref<128x128xf32, #tpu.memory_space<vmem>>
    %dma_start3A_53 = arith.constant 128 : i32
    %dma_start3A_54 = tpu.memref_slice %arg8[%dma_start3A_53] : memref<10240xi32, #tpu.memory_space<vmem>> -> memref<128xi32, #tpu.memory_space<vmem>>
    %dma_start3A_55 = arith.constant 0 : i32
    %dma_start3A_56 = arith.constant 0 : i32
    %dma_start3A_57 = tpu.memref_slice %arg4[%dma_start3A_55, %dma_start3A_56] : memref<100000x128xf32, #tpu.memory_space<hbm>> -> memref<100000x128xf32, #tpu.memory_space<hbm>>
    %dma_start3A_58 = tpu.memref_slice %arg13[%dma_start3A_48] : memref<5x!tpu.dma_semaphore, #tpu.memory_space<semaphore_mem>> -> memref<1x!tpu.dma_semaphore, #tpu.memory_space<semaphore_mem>>
    %dma_start3A_59 = tpu.memref_squeeze %dma_start3A_58 : memref<1x!tpu.dma_semaphore, #tpu.memory_space<semaphore_mem>> -> memref<!tpu.dma_semaphore, #tpu.memory_space<semaphore_mem>>
    tpu.enqueue_indirect_dma source(%dma_start3A_57 : memref<100000x128xf32, #tpu.memory_space<hbm>>) target(%dma_start3A_52 : memref<128x128xf32, #tpu.memory_space<vmem>>) offsets(%dma_start3A_54 : memref<128xi32, #tpu.memory_space<vmem>>) semaphore(%dma_start3A_59 : memref<!tpu.dma_semaphore, #tpu.memory_space<semaphore_mem>>)
    %dma_start3A_60 = arith.constant 2 : i32
    %dma_start3A_61 = arith.constant 2 : i32
    %dma_start3A_62 = arith.constant 0 : i32
    %dma_start3A_63 = arith.constant 0 : i32
    %dma_start3A_64 = tpu.memref_slice %arg10[%dma_start3A_60, %dma_start3A_62, %dma_start3A_63] : memref<5x128x128xf32, #tpu.memory_space<vmem>> -> memref<1x128x128xf32, #tpu.memory_space<vmem>>
    %dma_start3A_65 = tpu.memref_squeeze %dma_start3A_64 : memref<1x128x128xf32, #tpu.memory_space<vmem>> -> memref<128x128xf32, #tpu.memory_space<vmem>>
    %dma_start3A_66 = arith.constant 256 : i32
    %dma_start3A_67 = tpu.memref_slice %arg8[%dma_start3A_66] : memref<10240xi32, #tpu.memory_space<vmem>> -> memref<128xi32, #tpu.memory_space<vmem>>
    %dma_start3A_68 = arith.constant 0 : i32
    %dma_start3A_69 = arith.constant 0 : i32
    %dma_start3A_70 = tpu.memref_slice %arg4[%dma_start3A_68, %dma_start3A_69] : memref<100000x128xf32, #tpu.memory_space<hbm>> -> memref<100000x128xf32, #tpu.memory_space<hbm>>
    %dma_start3A_71 = tpu.memref_slice %arg13[%dma_start3A_61] : memref<5x!tpu.dma_semaphore, #tpu.memory_space<semaphore_mem>> -> memref<1x!tpu.dma_semaphore, #tpu.memory_space<semaphore_mem>>
    %dma_start3A_72 = tpu.memref_squeeze %dma_start3A_71 : memref<1x!tpu.dma_semaphore, #tpu.memory_space<semaphore_mem>> -> memref<!tpu.dma_semaphore, #tpu.memory_space<semaphore_mem>>
    tpu.enqueue_indirect_dma source(%dma_start3A_70 : memref<100000x128xf32, #tpu.memory_space<hbm>>) target(%dma_start3A_65 : memref<128x128xf32, #tpu.memory_space<vmem>>) offsets(%dma_start3A_67 : memref<128xi32, #tpu.memory_space<vmem>>) semaphore(%dma_start3A_72 : memref<!tpu.dma_semaphore, #tpu.memory_space<semaphore_mem>>)
    %dma_start3A_73 = arith.constant 3 : i32
    %dma_start3A_74 = arith.constant 3 : i32
    %dma_start3A_75 = arith.constant 0 : i32
    %dma_start3A_76 = arith.constant 0 : i32
    %dma_start3A_77 = tpu.memref_slice %arg10[%dma_start3A_73, %dma_start3A_75, %dma_start3A_76] : memref<5x128x128xf32, #tpu.memory_space<vmem>> -> memref<1x128x128xf32, #tpu.memory_space<vmem>>
    %dma_start3A_78 = tpu.memref_squeeze %dma_start3A_77 : memref<1x128x128xf32, #tpu.memory_space<vmem>> -> memref<128x128xf32, #tpu.memory_space<vmem>>
    %dma_start3A_79 = arith.constant 384 : i32
    %dma_start3A_80 = tpu.memref_slice %arg8[%dma_start3A_79] : memref<10240xi32, #tpu.memory_space<vmem>> -> memref<128xi32, #tpu.memory_space<vmem>>
    %dma_start3A_81 = arith.constant 0 : i32
    %dma_start3A_82 = arith.constant 0 : i32
    %dma_start3A_83 = tpu.memref_slice %arg4[%dma_start3A_81, %dma_start3A_82] : memref<100000x128xf32, #tpu.memory_space<hbm>> -> memref<100000x128xf32, #tpu.memory_space<hbm>>
    %dma_start3A_84 = tpu.memref_slice %arg13[%dma_start3A_74] : memref<5x!tpu.dma_semaphore, #tpu.memory_space<semaphore_mem>> -> memref<1x!tpu.dma_semaphore, #tpu.memory_space<semaphore_mem>>
    %dma_start3A_85 = tpu.memref_squeeze %dma_start3A_84 : memref<1x!tpu.dma_semaphore, #tpu.memory_space<semaphore_mem>> -> memref<!tpu.dma_semaphore, #tpu.memory_space<semaphore_mem>>
    tpu.enqueue_indirect_dma source(%dma_start3A_83 : memref<100000x128xf32, #tpu.memory_space<hbm>>) target(%dma_start3A_78 : memref<128x128xf32, #tpu.memory_space<vmem>>) offsets(%dma_start3A_80 : memref<128xi32, #tpu.memory_space<vmem>>) semaphore(%dma_start3A_85 : memref<!tpu.dma_semaphore, #tpu.memory_space<semaphore_mem>>)
    %dma_start3A_86 = arith.constant 4 : i32
    %dma_start3A_87 = arith.constant 4 : i32
    %dma_start3A_88 = arith.constant 0 : i32
    %dma_start3A_89 = arith.constant 0 : i32
    %dma_start3A_90 = tpu.memref_slice %arg10[%dma_start3A_86, %dma_start3A_88, %dma_start3A_89] : memref<5x128x128xf32, #tpu.memory_space<vmem>> -> memref<1x128x128xf32, #tpu.memory_space<vmem>>
    %dma_start3A_91 = tpu.memref_squeeze %dma_start3A_90 : memref<1x128x128xf32, #tpu.memory_space<vmem>> -> memref<128x128xf32, #tpu.memory_space<vmem>>
    %dma_start3A_92 = arith.constant 512 : i32
    %dma_start3A_93 = tpu.memref_slice %arg8[%dma_start3A_92] : memref<10240xi32, #tpu.memory_space<vmem>> -> memref<128xi32, #tpu.memory_space<vmem>>
    %dma_start3A_94 = arith.constant 0 : i32
    %dma_start3A_95 = arith.constant 0 : i32
    %dma_start3A_96 = tpu.memref_slice %arg4[%dma_start3A_94, %dma_start3A_95] : memref<100000x128xf32, #tpu.memory_space<hbm>> -> memref<100000x128xf32, #tpu.memory_space<hbm>>
    %dma_start3A_97 = tpu.memref_slice %arg13[%dma_start3A_87] : memref<5x!tpu.dma_semaphore, #tpu.memory_space<semaphore_mem>> -> memref<1x!tpu.dma_semaphore, #tpu.memory_space<semaphore_mem>>
    %dma_start3A_98 = tpu.memref_squeeze %dma_start3A_97 : memref<1x!tpu.dma_semaphore, #tpu.memory_space<semaphore_mem>> -> memref<!tpu.dma_semaphore, #tpu.memory_space<semaphore_mem>>
    tpu.enqueue_indirect_dma source(%dma_start3A_96 : memref<100000x128xf32, #tpu.memory_space<hbm>>) target(%dma_start3A_91 : memref<128x128xf32, #tpu.memory_space<vmem>>) offsets(%dma_start3A_93 : memref<128xi32, #tpu.memory_space<vmem>>) semaphore(%dma_start3A_98 : memref<!tpu.dma_semaphore, #tpu.memory_space<semaphore_mem>>)
    %scan3A = arith.constant 0 : i32
    %scan3A_99 = arith.constant 0 : i32
    %mul3A_100 = arith.constant 2 : i32
    %mul3A_101 = arith.muli %scan3A_99, %mul3A_100 : i32
    %dma_wait3A = arith.constant 0 : i32
    %dma_wait3A_102 = arith.constant 0 : i32
    %dma_wait3A_103 = arith.constant 0 : i32
    %dma_wait3A_104 = arith.constant 0 : i32
    %dma_wait3A_105 = tpu.memref_slice %arg9[%dma_wait3A, %dma_wait3A_103, %dma_wait3A_104] : memref<2x128x128xf32, #tpu.memory_space<vmem>> -> memref<1x128x128xf32, #tpu.memory_space<vmem>>
    %dma_wait3A_106 = tpu.memref_squeeze %dma_wait3A_105 : memref<1x128x128xf32, #tpu.memory_space<vmem>> -> memref<128x128xf32, #tpu.memory_space<vmem>>
    %dma_wait3A_107 = arith.constant 0 : i32
    %dma_wait3A_108 = tpu.memref_slice %arg7[%dma_wait3A_107] : memref<512xi32, #tpu.memory_space<vmem>> -> memref<128xi32, #tpu.memory_space<vmem>>
    %dma_wait3A_109 = arith.constant 0 : i32
    %dma_wait3A_110 = arith.constant 0 : i32
    %dma_wait3A_111 = tpu.memref_slice %arg4[%dma_wait3A_109, %dma_wait3A_110] : memref<100000x128xf32, #tpu.memory_space<hbm>> -> memref<100000x128xf32, #tpu.memory_space<hbm>>
    %dma_wait3A_112 = tpu.memref_slice %arg11[%dma_wait3A_102] : memref<2x!tpu.dma_semaphore, #tpu.memory_space<semaphore_mem>> -> memref<1x!tpu.dma_semaphore, #tpu.memory_space<semaphore_mem>>
    %dma_wait3A_113 = tpu.memref_squeeze %dma_wait3A_112 : memref<1x!tpu.dma_semaphore, #tpu.memory_space<semaphore_mem>> -> memref<!tpu.dma_semaphore, #tpu.memory_space<semaphore_mem>>
    tpu.wait_indirect_dma semaphore(%dma_wait3A_113 : memref<!tpu.dma_semaphore, #tpu.memory_space<semaphore_mem>>) src(%dma_wait3A_111 : memref<100000x128xf32, #tpu.memory_space<hbm>>) dst(%dma_wait3A_106 : memref<128x128xf32, #tpu.memory_space<vmem>>)
    %add3A_114 = arith.constant 0 : i32
    %add3A_115 = arith.addi %mul3A_101, %add3A_114 : i32
    %mul3A_116 = arith.constant 128 : i32
    %mul3A_117 = arith.muli %add3A_115, %mul3A_116 : i32
    %add3A_118 = arith.addi %mul3A_6, %mul3A_117 : i32
    %dma_start3A_119 = arith.constant 0 : i32
    %dma_start3A_120 = arith.constant 0 : i32
    %dma_start3A_121 = arith.constant 0 : i32
    %dma_start3A_122 = arith.constant 0 : i32
    %dma_start3A_123 = tpu.memref_slice %arg9[%dma_start3A_119, %dma_start3A_121, %dma_start3A_122] : memref<2x128x128xf32, #tpu.memory_space<vmem>> -> memref<1x128x128xf32, #tpu.memory_space<vmem>>
    %dma_start3A_124 = tpu.memref_squeeze %dma_start3A_123 : memref<1x128x128xf32, #tpu.memory_space<vmem>> -> memref<128x128xf32, #tpu.memory_space<vmem>>
    %dma_start3A_125 = arith.constant 0 : i32
    %dma_start3A_126 = tpu.memref_slice %arg5[%add3A_118, %dma_start3A_125] : memref<16384x128xf32, #tpu.memory_space<hbm>> -> memref<128x128xf32, #tpu.memory_space<hbm>>
    %dma_start3A_127 = tpu.memref_slice %arg12[%dma_start3A_120] : memref<2x!tpu.dma_semaphore, #tpu.memory_space<semaphore_mem>> -> memref<1x!tpu.dma_semaphore, #tpu.memory_space<semaphore_mem>>
    %dma_start3A_128 = tpu.memref_squeeze %dma_start3A_127 : memref<1x!tpu.dma_semaphore, #tpu.memory_space<semaphore_mem>> -> memref<!tpu.dma_semaphore, #tpu.memory_space<semaphore_mem>>
    %dma_start3A_129 = arith.constant 0 : i32
    %dma_start3A_130 = tpu.memref_slice %arg5[%add3A_118, %dma_start3A_129] : memref<16384x128xf32, #tpu.memory_space<hbm>> -> memref<128x128xf32, #tpu.memory_space<hbm>>
    %dma_start3A_131 = arith.constant 0 : i32
    %dma_start3A_132 = arith.constant 0 : i32
    %dma_start3A_133 = tpu.memref_slice %arg9[%dma_start3A_119, %dma_start3A_131, %dma_start3A_132] : memref<2x128x128xf32, #tpu.memory_space<vmem>> -> memref<1x128x128xf32, #tpu.memory_space<vmem>>
    %dma_start3A_134 = tpu.memref_squeeze %dma_start3A_133 : memref<1x128x128xf32, #tpu.memory_space<vmem>> -> memref<128x128xf32, #tpu.memory_space<vmem>>
    tpu.enqueue_dma source(%dma_start3A_134 : memref<128x128xf32, #tpu.memory_space<vmem>>) target(%dma_start3A_130 : memref<128x128xf32, #tpu.memory_space<hbm>>) target_semaphore(%dma_start3A_128 : memref<!tpu.dma_semaphore, #tpu.memory_space<semaphore_mem>>)
    %dma_wait3A_135 = arith.constant 0 : i32
    %dma_wait3A_136 = arith.constant 0 : i32
    %dma_wait3A_137 = arith.constant 0 : i32
    %dma_wait3A_138 = arith.constant 0 : i32
    %dma_wait3A_139 = tpu.memref_slice %arg9[%dma_wait3A_135, %dma_wait3A_137, %dma_wait3A_138] : memref<2x128x128xf32, #tpu.memory_space<vmem>> -> memref<1x128x128xf32, #tpu.memory_space<vmem>>
    %dma_wait3A_140 = tpu.memref_squeeze %dma_wait3A_139 : memref<1x128x128xf32, #tpu.memory_space<vmem>> -> memref<128x128xf32, #tpu.memory_space<vmem>>
    %dma_wait3A_141 = arith.constant 0 : i32
    %dma_wait3A_142 = tpu.memref_slice %arg5[%mul3A_6, %dma_wait3A_141] : memref<16384x128xf32, #tpu.memory_space<hbm>> -> memref<128x128xf32, #tpu.memory_space<hbm>>
    %dma_wait3A_143 = tpu.memref_slice %arg12[%dma_wait3A_136] : memref<2x!tpu.dma_semaphore, #tpu.memory_space<semaphore_mem>> -> memref<1x!tpu.dma_semaphore, #tpu.memory_space<semaphore_mem>>
    %dma_wait3A_144 = tpu.memref_squeeze %dma_wait3A_143 : memref<1x!tpu.dma_semaphore, #tpu.memory_space<semaphore_mem>> -> memref<!tpu.dma_semaphore, #tpu.memory_space<semaphore_mem>>
    %dma_wait3A_145 = arith.constant 0 : i32
    %dma_wait3A_146 = tpu.memref_slice %arg5[%mul3A_6, %dma_wait3A_145] : memref<16384x128xf32, #tpu.memory_space<hbm>> -> memref<128x128xf32, #tpu.memory_space<hbm>>
    %dma_wait3A_147 = arith.constant 0 : i32
    %dma_wait3A_148 = arith.constant 0 : i32
    %dma_wait3A_149 = tpu.memref_slice %arg9[%dma_wait3A_135, %dma_wait3A_147, %dma_wait3A_148] : memref<2x128x128xf32, #tpu.memory_space<vmem>> -> memref<1x128x128xf32, #tpu.memory_space<vmem>>
    %dma_wait3A_150 = tpu.memref_squeeze %dma_wait3A_149 : memref<1x128x128xf32, #tpu.memory_space<vmem>> -> memref<128x128xf32, #tpu.memory_space<vmem>>
    tpu.wait_dma2 semaphore(%dma_wait3A_144 : memref<!tpu.dma_semaphore, #tpu.memory_space<semaphore_mem>>) src(%dma_wait3A_150 : memref<128x128xf32, #tpu.memory_space<vmem>>) dst(%dma_wait3A_146 : memref<128x128xf32, #tpu.memory_space<hbm>>)
    %add3A_151 = arith.constant 0 : i32
    %add3A_152 = arith.addi %mul3A_101, %add3A_151 : i32
    %add3A_153 = arith.constant 2 : i32
    %add3A_154 = arith.addi %add3A_152, %add3A_153 : i32
    %mul3A_155 = arith.constant 128 : i32
    %mul3A_156 = arith.muli %add3A_154, %mul3A_155 : i32
    %dma_start3A_157 = arith.constant 0 : i32
    %dma_start3A_158 = arith.constant 0 : i32
    %dma_start3A_159 = arith.constant 0 : i32
    %dma_start3A_160 = arith.constant 0 : i32
    %dma_start3A_161 = tpu.memref_slice %arg9[%dma_start3A_157, %dma_start3A_159, %dma_start3A_160] : memref<2x128x128xf32, #tpu.memory_space<vmem>> -> memref<1x128x128xf32, #tpu.memory_space<vmem>>
    %dma_start3A_162 = tpu.memref_squeeze %dma_start3A_161 : memref<1x128x128xf32, #tpu.memory_space<vmem>> -> memref<128x128xf32, #tpu.memory_space<vmem>>
    %dma_start3A_163 = tpu.memref_slice %arg7[%mul3A_156] : memref<512xi32, #tpu.memory_space<vmem>> -> memref<128xi32, #tpu.memory_space<vmem>>
    %dma_start3A_164 = arith.constant 0 : i32
    %dma_start3A_165 = arith.constant 0 : i32
    %dma_start3A_166 = tpu.memref_slice %arg4[%dma_start3A_164, %dma_start3A_165] : memref<100000x128xf32, #tpu.memory_space<hbm>> -> memref<100000x128xf32, #tpu.memory_space<hbm>>
    %dma_start3A_167 = tpu.memref_slice %arg11[%dma_start3A_158] : memref<2x!tpu.dma_semaphore, #tpu.memory_space<semaphore_mem>> -> memref<1x!tpu.dma_semaphore, #tpu.memory_space<semaphore_mem>>
    %dma_start3A_168 = tpu.memref_squeeze %dma_start3A_167 : memref<1x!tpu.dma_semaphore, #tpu.memory_space<semaphore_mem>> -> memref<!tpu.dma_semaphore, #tpu.memory_space<semaphore_mem>>
    tpu.enqueue_indirect_dma source(%dma_start3A_166 : memref<100000x128xf32, #tpu.memory_space<hbm>>) target(%dma_start3A_162 : memref<128x128xf32, #tpu.memory_space<vmem>>) offsets(%dma_start3A_163 : memref<128xi32, #tpu.memory_space<vmem>>) semaphore(%dma_start3A_168 : memref<!tpu.dma_semaphore, #tpu.memory_space<semaphore_mem>>)
    %dma_wait3A_169 = arith.constant 1 : i32
    %dma_wait3A_170 = arith.constant 1 : i32
    %dma_wait3A_171 = arith.constant 0 : i32
    %dma_wait3A_172 = arith.constant 0 : i32
    %dma_wait3A_173 = tpu.memref_slice %arg9[%dma_wait3A_169, %dma_wait3A_171, %dma_wait3A_172] : memref<2x128x128xf32, #tpu.memory_space<vmem>> -> memref<1x128x128xf32, #tpu.memory_space<vmem>>
    %dma_wait3A_174 = tpu.memref_squeeze %dma_wait3A_173 : memref<1x128x128xf32, #tpu.memory_space<vmem>> -> memref<128x128xf32, #tpu.memory_space<vmem>>
    %dma_wait3A_175 = arith.constant 0 : i32
    %dma_wait3A_176 = tpu.memref_slice %arg7[%dma_wait3A_175] : memref<512xi32, #tpu.memory_space<vmem>> -> memref<128xi32, #tpu.memory_space<vmem>>
    %dma_wait3A_177 = arith.constant 0 : i32
    %dma_wait3A_178 = arith.constant 0 : i32
    %dma_wait3A_179 = tpu.memref_slice %arg4[%dma_wait3A_177, %dma_wait3A_178] : memref<100000x128xf32, #tpu.memory_space<hbm>> -> memref<100000x128xf32, #tpu.memory_space<hbm>>
    %dma_wait3A_180 = tpu.memref_slice %arg11[%dma_wait3A_170] : memref<2x!tpu.dma_semaphore, #tpu.memory_space<semaphore_mem>> -> memref<1x!tpu.dma_semaphore, #tpu.memory_space<semaphore_mem>>
    %dma_wait3A_181 = tpu.memref_squeeze %dma_wait3A_180 : memref<1x!tpu.dma_semaphore, #tpu.memory_space<semaphore_mem>> -> memref<!tpu.dma_semaphore, #tpu.memory_space<semaphore_mem>>
    tpu.wait_indirect_dma semaphore(%dma_wait3A_181 : memref<!tpu.dma_semaphore, #tpu.memory_space<semaphore_mem>>) src(%dma_wait3A_179 : memref<100000x128xf32, #tpu.memory_space<hbm>>) dst(%dma_wait3A_174 : memref<128x128xf32, #tpu.memory_space<vmem>>)
    %add3A_182 = arith.constant 1 : i32
    %add3A_183 = arith.addi %mul3A_101, %add3A_182 : i32
    %mul3A_184 = arith.constant 128 : i32
    %mul3A_185 = arith.muli %add3A_183, %mul3A_184 : i32
    %add3A_186 = arith.addi %mul3A_6, %mul3A_185 : i32
    %dma_start3A_187 = arith.constant 1 : i32
    %dma_start3A_188 = arith.constant 1 : i32
    %dma_start3A_189 = arith.constant 0 : i32
    %dma_start3A_190 = arith.constant 0 : i32
    %dma_start3A_191 = tpu.memref_slice %arg9[%dma_start3A_187, %dma_start3A_189, %dma_start3A_190] : memref<2x128x128xf32, #tpu.memory_space<vmem>> -> memref<1x128x128xf32, #tpu.memory_space<vmem>>
    %dma_start3A_192 = tpu.memref_squeeze %dma_start3A_191 : memref<1x128x128xf32, #tpu.memory_space<vmem>> -> memref<128x128xf32, #tpu.memory_space<vmem>>
    %dma_start3A_193 = arith.constant 0 : i32
    %dma_start3A_194 = tpu.memref_slice %arg5[%add3A_186, %dma_start3A_193] : memref<16384x128xf32, #tpu.memory_space<hbm>> -> memref<128x128xf32, #tpu.memory_space<hbm>>
    %dma_start3A_195 = tpu.memref_slice %arg12[%dma_start3A_188] : memref<2x!tpu.dma_semaphore, #tpu.memory_space<semaphore_mem>> -> memref<1x!tpu.dma_semaphore, #tpu.memory_space<semaphore_mem>>
    %dma_start3A_196 = tpu.memref_squeeze %dma_start3A_195 : memref<1x!tpu.dma_semaphore, #tpu.memory_space<semaphore_mem>> -> memref<!tpu.dma_semaphore, #tpu.memory_space<semaphore_mem>>
    %dma_start3A_197 = arith.constant 0 : i32
    %dma_start3A_198 = tpu.memref_slice %arg5[%add3A_186, %dma_start3A_197] : memref<16384x128xf32, #tpu.memory_space<hbm>> -> memref<128x128xf32, #tpu.memory_space<hbm>>
    %dma_start3A_199 = arith.constant 0 : i32
    %dma_start3A_200 = arith.constant 0 : i32
    %dma_start3A_201 = tpu.memref_slice %arg9[%dma_start3A_187, %dma_start3A_199, %dma_start3A_200] : memref<2x128x128xf32, #tpu.memory_space<vmem>> -> memref<1x128x128xf32, #tpu.memory_space<vmem>>
    %dma_start3A_202 = tpu.memref_squeeze %dma_start3A_201 : memref<1x128x128xf32, #tpu.memory_space<vmem>> -> memref<128x128xf32, #tpu.memory_space<vmem>>
    tpu.enqueue_dma source(%dma_start3A_202 : memref<128x128xf32, #tpu.memory_space<vmem>>) target(%dma_start3A_198 : memref<128x128xf32, #tpu.memory_space<hbm>>) target_semaphore(%dma_start3A_196 : memref<!tpu.dma_semaphore, #tpu.memory_space<semaphore_mem>>)
    %dma_wait3A_203 = arith.constant 1 : i32
    %dma_wait3A_204 = arith.constant 1 : i32
    %dma_wait3A_205 = arith.constant 0 : i32
    %dma_wait3A_206 = arith.constant 0 : i32
    %dma_wait3A_207 = tpu.memref_slice %arg9[%dma_wait3A_203, %dma_wait3A_205, %dma_wait3A_206] : memref<2x128x128xf32, #tpu.memory_space<vmem>> -> memref<1x128x128xf32, #tpu.memory_space<vmem>>
    %dma_wait3A_208 = tpu.memref_squeeze %dma_wait3A_207 : memref<1x128x128xf32, #tpu.memory_space<vmem>> -> memref<128x128xf32, #tpu.memory_space<vmem>>
    %dma_wait3A_209 = arith.constant 0 : i32
    %dma_wait3A_210 = tpu.memref_slice %arg5[%mul3A_6, %dma_wait3A_209] : memref<16384x128xf32, #tpu.memory_space<hbm>> -> memref<128x128xf32, #tpu.memory_space<hbm>>
    %dma_wait3A_211 = tpu.memref_slice %arg12[%dma_wait3A_204] : memref<2x!tpu.dma_semaphore, #tpu.memory_space<semaphore_mem>> -> memref<1x!tpu.dma_semaphore, #tpu.memory_space<semaphore_mem>>
    %dma_wait3A_212 = tpu.memref_squeeze %dma_wait3A_211 : memref<1x!tpu.dma_semaphore, #tpu.memory_space<semaphore_mem>> -> memref<!tpu.dma_semaphore, #tpu.memory_space<semaphore_mem>>
    %dma_wait3A_213 = arith.constant 0 : i32
    %dma_wait3A_214 = tpu.memref_slice %arg5[%mul3A_6, %dma_wait3A_213] : memref<16384x128xf32, #tpu.memory_space<hbm>> -> memref<128x128xf32, #tpu.memory_space<hbm>>
    %dma_wait3A_215 = arith.constant 0 : i32
    %dma_wait3A_216 = arith.constant 0 : i32
    %dma_wait3A_217 = tpu.memref_slice %arg9[%dma_wait3A_203, %dma_wait3A_215, %dma_wait3A_216] : memref<2x128x128xf32, #tpu.memory_space<vmem>> -> memref<1x128x128xf32, #tpu.memory_space<vmem>>
    %dma_wait3A_218 = tpu.memref_squeeze %dma_wait3A_217 : memref<1x128x128xf32, #tpu.memory_space<vmem>> -> memref<128x128xf32, #tpu.memory_space<vmem>>
    tpu.wait_dma2 semaphore(%dma_wait3A_212 : memref<!tpu.dma_semaphore, #tpu.memory_space<semaphore_mem>>) src(%dma_wait3A_218 : memref<128x128xf32, #tpu.memory_space<vmem>>) dst(%dma_wait3A_214 : memref<128x128xf32, #tpu.memory_space<hbm>>)
    %add3A_219 = arith.constant 1 : i32
    %add3A_220 = arith.addi %mul3A_101, %add3A_219 : i32
    %add3A_221 = arith.constant 2 : i32
    %add3A_222 = arith.addi %add3A_220, %add3A_221 : i32
    %mul3A_223 = arith.constant 128 : i32
    %mul3A_224 = arith.muli %add3A_222, %mul3A_223 : i32
    %dma_start3A_225 = arith.constant 1 : i32
    %dma_start3A_226 = arith.constant 1 : i32
    %dma_start3A_227 = arith.constant 0 : i32
    %dma_start3A_228 = arith.constant 0 : i32
    %dma_start3A_229 = tpu.memref_slice %arg9[%dma_start3A_225, %dma_start3A_227, %dma_start3A_228] : memref<2x128x128xf32, #tpu.memory_space<vmem>> -> memref<1x128x128xf32, #tpu.memory_space<vmem>>
    %dma_start3A_230 = tpu.memref_squeeze %dma_start3A_229 : memref<1x128x128xf32, #tpu.memory_space<vmem>> -> memref<128x128xf32, #tpu.memory_space<vmem>>
    %dma_start3A_231 = tpu.memref_slice %arg7[%mul3A_224] : memref<512xi32, #tpu.memory_space<vmem>> -> memref<128xi32, #tpu.memory_space<vmem>>
    %dma_start3A_232 = arith.constant 0 : i32
    %dma_start3A_233 = arith.constant 0 : i32
    %dma_start3A_234 = tpu.memref_slice %arg4[%dma_start3A_232, %dma_start3A_233] : memref<100000x128xf32, #tpu.memory_space<hbm>> -> memref<100000x128xf32, #tpu.memory_space<hbm>>
    %dma_start3A_235 = tpu.memref_slice %arg11[%dma_start3A_226] : memref<2x!tpu.dma_semaphore, #tpu.memory_space<semaphore_mem>> -> memref<1x!tpu.dma_semaphore, #tpu.memory_space<semaphore_mem>>
    %dma_start3A_236 = tpu.memref_squeeze %dma_start3A_235 : memref<1x!tpu.dma_semaphore, #tpu.memory_space<semaphore_mem>> -> memref<!tpu.dma_semaphore, #tpu.memory_space<semaphore_mem>>
    tpu.enqueue_indirect_dma source(%dma_start3A_234 : memref<100000x128xf32, #tpu.memory_space<hbm>>) target(%dma_start3A_230 : memref<128x128xf32, #tpu.memory_space<vmem>>) offsets(%dma_start3A_231 : memref<128xi32, #tpu.memory_space<vmem>>) semaphore(%dma_start3A_236 : memref<!tpu.dma_semaphore, #tpu.memory_space<semaphore_mem>>)
    %scan3A_237 = arith.constant 1 : i32
    %dma_wait3A_238 = arith.constant 0 : i32
    %dma_wait3A_239 = arith.constant 0 : i32
    %dma_wait3A_240 = arith.constant 0 : i32
    %dma_wait3A_241 = arith.constant 0 : i32
    %dma_wait3A_242 = tpu.memref_slice %arg9[%dma_wait3A_238, %dma_wait3A_240, %dma_wait3A_241] : memref<2x128x128xf32, #tpu.memory_space<vmem>> -> memref<1x128x128xf32, #tpu.memory_space<vmem>>
    %dma_wait3A_243 = tpu.memref_squeeze %dma_wait3A_242 : memref<1x128x128xf32, #tpu.memory_space<vmem>> -> memref<128x128xf32, #tpu.memory_space<vmem>>
    %dma_wait3A_244 = arith.constant 0 : i32
    %dma_wait3A_245 = tpu.memref_slice %arg7[%dma_wait3A_244] : memref<512xi32, #tpu.memory_space<vmem>> -> memref<128xi32, #tpu.memory_space<vmem>>
    %dma_wait3A_246 = arith.constant 0 : i32
    %dma_wait3A_247 = arith.constant 0 : i32
    %dma_wait3A_248 = tpu.memref_slice %arg4[%dma_wait3A_246, %dma_wait3A_247] : memref<100000x128xf32, #tpu.memory_space<hbm>> -> memref<100000x128xf32, #tpu.memory_space<hbm>>
    %dma_wait3A_249 = tpu.memref_slice %arg11[%dma_wait3A_239] : memref<2x!tpu.dma_semaphore, #tpu.memory_space<semaphore_mem>> -> memref<1x!tpu.dma_semaphore, #tpu.memory_space<semaphore_mem>>
    %dma_wait3A_250 = tpu.memref_squeeze %dma_wait3A_249 : memref<1x!tpu.dma_semaphore, #tpu.memory_space<semaphore_mem>> -> memref<!tpu.dma_semaphore, #tpu.memory_space<semaphore_mem>>
    tpu.wait_indirect_dma semaphore(%dma_wait3A_250 : memref<!tpu.dma_semaphore, #tpu.memory_space<semaphore_mem>>) src(%dma_wait3A_248 : memref<100000x128xf32, #tpu.memory_space<hbm>>) dst(%dma_wait3A_243 : memref<128x128xf32, #tpu.memory_space<vmem>>)
    %add3A_251 = arith.constant 256 : i32
    %add3A_252 = arith.addi %mul3A_6, %add3A_251 : i32
    %dma_start3A_253 = arith.constant 0 : i32
    %dma_start3A_254 = arith.constant 0 : i32
    %dma_start3A_255 = arith.constant 0 : i32
    %dma_start3A_256 = arith.constant 0 : i32
    %dma_start3A_257 = tpu.memref_slice %arg9[%dma_start3A_253, %dma_start3A_255, %dma_start3A_256] : memref<2x128x128xf32, #tpu.memory_space<vmem>> -> memref<1x128x128xf32, #tpu.memory_space<vmem>>
    %dma_start3A_258 = tpu.memref_squeeze %dma_start3A_257 : memref<1x128x128xf32, #tpu.memory_space<vmem>> -> memref<128x128xf32, #tpu.memory_space<vmem>>
    %dma_start3A_259 = arith.constant 0 : i32
    %dma_start3A_260 = tpu.memref_slice %arg5[%add3A_252, %dma_start3A_259] : memref<16384x128xf32, #tpu.memory_space<hbm>> -> memref<128x128xf32, #tpu.memory_space<hbm>>
    %dma_start3A_261 = tpu.memref_slice %arg12[%dma_start3A_254] : memref<2x!tpu.dma_semaphore, #tpu.memory_space<semaphore_mem>> -> memref<1x!tpu.dma_semaphore, #tpu.memory_space<semaphore_mem>>
    %dma_start3A_262 = tpu.memref_squeeze %dma_start3A_261 : memref<1x!tpu.dma_semaphore, #tpu.memory_space<semaphore_mem>> -> memref<!tpu.dma_semaphore, #tpu.memory_space<semaphore_mem>>
    %dma_start3A_263 = arith.constant 0 : i32
    %dma_start3A_264 = tpu.memref_slice %arg5[%add3A_252, %dma_start3A_263] : memref<16384x128xf32, #tpu.memory_space<hbm>> -> memref<128x128xf32, #tpu.memory_space<hbm>>
    %dma_start3A_265 = arith.constant 0 : i32
    %dma_start3A_266 = arith.constant 0 : i32
    %dma_start3A_267 = tpu.memref_slice %arg9[%dma_start3A_253, %dma_start3A_265, %dma_start3A_266] : memref<2x128x128xf32, #tpu.memory_space<vmem>> -> memref<1x128x128xf32, #tpu.memory_space<vmem>>
    %dma_start3A_268 = tpu.memref_squeeze %dma_start3A_267 : memref<1x128x128xf32, #tpu.memory_space<vmem>> -> memref<128x128xf32, #tpu.memory_space<vmem>>
    tpu.enqueue_dma source(%dma_start3A_268 : memref<128x128xf32, #tpu.memory_space<vmem>>) target(%dma_start3A_264 : memref<128x128xf32, #tpu.memory_space<hbm>>) target_semaphore(%dma_start3A_262 : memref<!tpu.dma_semaphore, #tpu.memory_space<semaphore_mem>>)
    %dma_wait3A_269 = arith.constant 1 : i32
    %dma_wait3A_270 = arith.constant 1 : i32
    %dma_wait3A_271 = arith.constant 0 : i32
    %dma_wait3A_272 = arith.constant 0 : i32
    %dma_wait3A_273 = tpu.memref_slice %arg9[%dma_wait3A_269, %dma_wait3A_271, %dma_wait3A_272] : memref<2x128x128xf32, #tpu.memory_space<vmem>> -> memref<1x128x128xf32, #tpu.memory_space<vmem>>
    %dma_wait3A_274 = tpu.memref_squeeze %dma_wait3A_273 : memref<1x128x128xf32, #tpu.memory_space<vmem>> -> memref<128x128xf32, #tpu.memory_space<vmem>>
    %dma_wait3A_275 = arith.constant 0 : i32
    %dma_wait3A_276 = tpu.memref_slice %arg7[%dma_wait3A_275] : memref<512xi32, #tpu.memory_space<vmem>> -> memref<128xi32, #tpu.memory_space<vmem>>
    %dma_wait3A_277 = arith.constant 0 : i32
    %dma_wait3A_278 = arith.constant 0 : i32
    %dma_wait3A_279 = tpu.memref_slice %arg4[%dma_wait3A_277, %dma_wait3A_278] : memref<100000x128xf32, #tpu.memory_space<hbm>> -> memref<100000x128xf32, #tpu.memory_space<hbm>>
    %dma_wait3A_280 = tpu.memref_slice %arg11[%dma_wait3A_270] : memref<2x!tpu.dma_semaphore, #tpu.memory_space<semaphore_mem>> -> memref<1x!tpu.dma_semaphore, #tpu.memory_space<semaphore_mem>>
    %dma_wait3A_281 = tpu.memref_squeeze %dma_wait3A_280 : memref<1x!tpu.dma_semaphore, #tpu.memory_space<semaphore_mem>> -> memref<!tpu.dma_semaphore, #tpu.memory_space<semaphore_mem>>
    tpu.wait_indirect_dma semaphore(%dma_wait3A_281 : memref<!tpu.dma_semaphore, #tpu.memory_space<semaphore_mem>>) src(%dma_wait3A_279 : memref<100000x128xf32, #tpu.memory_space<hbm>>) dst(%dma_wait3A_274 : memref<128x128xf32, #tpu.memory_space<vmem>>)
    %add3A_282 = arith.constant 384 : i32
    %add3A_283 = arith.addi %mul3A_6, %add3A_282 : i32
    %dma_start3A_284 = arith.constant 1 : i32
    %dma_start3A_285 = arith.constant 1 : i32
    %dma_start3A_286 = arith.constant 0 : i32
    %dma_start3A_287 = arith.constant 0 : i32
    %dma_start3A_288 = tpu.memref_slice %arg9[%dma_start3A_284, %dma_start3A_286, %dma_start3A_287] : memref<2x128x128xf32, #tpu.memory_space<vmem>> -> memref<1x128x128xf32, #tpu.memory_space<vmem>>
    %dma_start3A_289 = tpu.memref_squeeze %dma_start3A_288 : memref<1x128x128xf32, #tpu.memory_space<vmem>> -> memref<128x128xf32, #tpu.memory_space<vmem>>
    %dma_start3A_290 = arith.constant 0 : i32
    %dma_start3A_291 = tpu.memref_slice %arg5[%add3A_283, %dma_start3A_290] : memref<16384x128xf32, #tpu.memory_space<hbm>> -> memref<128x128xf32, #tpu.memory_space<hbm>>
    %dma_start3A_292 = tpu.memref_slice %arg12[%dma_start3A_285] : memref<2x!tpu.dma_semaphore, #tpu.memory_space<semaphore_mem>> -> memref<1x!tpu.dma_semaphore, #tpu.memory_space<semaphore_mem>>
    %dma_start3A_293 = tpu.memref_squeeze %dma_start3A_292 : memref<1x!tpu.dma_semaphore, #tpu.memory_space<semaphore_mem>> -> memref<!tpu.dma_semaphore, #tpu.memory_space<semaphore_mem>>
    %dma_start3A_294 = arith.constant 0 : i32
    %dma_start3A_295 = tpu.memref_slice %arg5[%add3A_283, %dma_start3A_294] : memref<16384x128xf32, #tpu.memory_space<hbm>> -> memref<128x128xf32, #tpu.memory_space<hbm>>
    %dma_start3A_296 = arith.constant 0 : i32
    %dma_start3A_297 = arith.constant 0 : i32
    %dma_start3A_298 = tpu.memref_slice %arg9[%dma_start3A_284, %dma_start3A_296, %dma_start3A_297] : memref<2x128x128xf32, #tpu.memory_space<vmem>> -> memref<1x128x128xf32, #tpu.memory_space<vmem>>
    %dma_start3A_299 = tpu.memref_squeeze %dma_start3A_298 : memref<1x128x128xf32, #tpu.memory_space<vmem>> -> memref<128x128xf32, #tpu.memory_space<vmem>>
    tpu.enqueue_dma source(%dma_start3A_299 : memref<128x128xf32, #tpu.memory_space<vmem>>) target(%dma_start3A_295 : memref<128x128xf32, #tpu.memory_space<hbm>>) target_semaphore(%dma_start3A_293 : memref<!tpu.dma_semaphore, #tpu.memory_space<semaphore_mem>>)
    %dma_wait3A_300 = arith.constant 0 : i32
    %dma_wait3A_301 = arith.constant 0 : i32
    %dma_wait3A_302 = arith.constant 0 : i32
    %dma_wait3A_303 = arith.constant 0 : i32
    %dma_wait3A_304 = tpu.memref_slice %arg9[%dma_wait3A_300, %dma_wait3A_302, %dma_wait3A_303] : memref<2x128x128xf32, #tpu.memory_space<vmem>> -> memref<1x128x128xf32, #tpu.memory_space<vmem>>
    %dma_wait3A_305 = tpu.memref_squeeze %dma_wait3A_304 : memref<1x128x128xf32, #tpu.memory_space<vmem>> -> memref<128x128xf32, #tpu.memory_space<vmem>>
    %dma_wait3A_306 = arith.constant 0 : i32
    %dma_wait3A_307 = tpu.memref_slice %arg5[%mul3A_6, %dma_wait3A_306] : memref<16384x128xf32, #tpu.memory_space<hbm>> -> memref<128x128xf32, #tpu.memory_space<hbm>>
    %dma_wait3A_308 = tpu.memref_slice %arg12[%dma_wait3A_301] : memref<2x!tpu.dma_semaphore, #tpu.memory_space<semaphore_mem>> -> memref<1x!tpu.dma_semaphore, #tpu.memory_space<semaphore_mem>>
    %dma_wait3A_309 = tpu.memref_squeeze %dma_wait3A_308 : memref<1x!tpu.dma_semaphore, #tpu.memory_space<semaphore_mem>> -> memref<!tpu.dma_semaphore, #tpu.memory_space<semaphore_mem>>
    %dma_wait3A_310 = arith.constant 0 : i32
    %dma_wait3A_311 = tpu.memref_slice %arg5[%mul3A_6, %dma_wait3A_310] : memref<16384x128xf32, #tpu.memory_space<hbm>> -> memref<128x128xf32, #tpu.memory_space<hbm>>
    %dma_wait3A_312 = arith.constant 0 : i32
    %dma_wait3A_313 = arith.constant 0 : i32
    %dma_wait3A_314 = tpu.memref_slice %arg9[%dma_wait3A_300, %dma_wait3A_312, %dma_wait3A_313] : memref<2x128x128xf32, #tpu.memory_space<vmem>> -> memref<1x128x128xf32, #tpu.memory_space<vmem>>
    %dma_wait3A_315 = tpu.memref_squeeze %dma_wait3A_314 : memref<1x128x128xf32, #tpu.memory_space<vmem>> -> memref<128x128xf32, #tpu.memory_space<vmem>>
    tpu.wait_dma2 semaphore(%dma_wait3A_309 : memref<!tpu.dma_semaphore, #tpu.memory_space<semaphore_mem>>) src(%dma_wait3A_315 : memref<128x128xf32, #tpu.memory_space<vmem>>) dst(%dma_wait3A_311 : memref<128x128xf32, #tpu.memory_space<hbm>>)
    %dma_wait3A_316 = arith.constant 1 : i32
    %dma_wait3A_317 = arith.constant 1 : i32
    %dma_wait3A_318 = arith.constant 0 : i32
    %dma_wait3A_319 = arith.constant 0 : i32
    %dma_wait3A_320 = tpu.memref_slice %arg9[%dma_wait3A_316, %dma_wait3A_318, %dma_wait3A_319] : memref<2x128x128xf32, #tpu.memory_space<vmem>> -> memref<1x128x128xf32, #tpu.memory_space<vmem>>
    %dma_wait3A_321 = tpu.memref_squeeze %dma_wait3A_320 : memref<1x128x128xf32, #tpu.memory_space<vmem>> -> memref<128x128xf32, #tpu.memory_space<vmem>>
    %dma_wait3A_322 = arith.constant 0 : i32
    %dma_wait3A_323 = tpu.memref_slice %arg5[%mul3A_6, %dma_wait3A_322] : memref<16384x128xf32, #tpu.memory_space<hbm>> -> memref<128x128xf32, #tpu.memory_space<hbm>>
    %dma_wait3A_324 = tpu.memref_slice %arg12[%dma_wait3A_317] : memref<2x!tpu.dma_semaphore, #tpu.memory_space<semaphore_mem>> -> memref<1x!tpu.dma_semaphore, #tpu.memory_space<semaphore_mem>>
    %dma_wait3A_325 = tpu.memref_squeeze %dma_wait3A_324 : memref<1x!tpu.dma_semaphore, #tpu.memory_space<semaphore_mem>> -> memref<!tpu.dma_semaphore, #tpu.memory_space<semaphore_mem>>
    %dma_wait3A_326 = arith.constant 0 : i32
    %dma_wait3A_327 = tpu.memref_slice %arg5[%mul3A_6, %dma_wait3A_326] : memref<16384x128xf32, #tpu.memory_space<hbm>> -> memref<128x128xf32, #tpu.memory_space<hbm>>
    %dma_wait3A_328 = arith.constant 0 : i32
    %dma_wait3A_329 = arith.constant 0 : i32
    %dma_wait3A_330 = tpu.memref_slice %arg9[%dma_wait3A_316, %dma_wait3A_328, %dma_wait3A_329] : memref<2x128x128xf32, #tpu.memory_space<vmem>> -> memref<1x128x128xf32, #tpu.memory_space<vmem>>
    %dma_wait3A_331 = tpu.memref_squeeze %dma_wait3A_330 : memref<1x128x128xf32, #tpu.memory_space<vmem>> -> memref<128x128xf32, #tpu.memory_space<vmem>>
    tpu.wait_dma2 semaphore(%dma_wait3A_325 : memref<!tpu.dma_semaphore, #tpu.memory_space<semaphore_mem>>) src(%dma_wait3A_331 : memref<128x128xf32, #tpu.memory_space<vmem>>) dst(%dma_wait3A_327 : memref<128x128xf32, #tpu.memory_space<hbm>>)
    %scan3A_332 = arith.constant 0 : i32
    %scan3A_333 = arith.constant 0 : i32
    %scan3A_334 = arith.constant 15 : i32
    %scan3A_335 = arith.addi %scan3A_333, %scan3A_334 : i32
    %scan3A_336 = arith.constant 1 : i32
    scf.for %scan3A_573 = %scan3A_333 to %scan3A_335 step %scan3A_336  : i32 {
      %mul3A_574 = arith.constant 5 : i32
      %mul3A_575 = arith.muli %scan3A_573, %mul3A_574 : i32
      %dma_wait3A_576 = arith.constant 0 : i32
      %dma_wait3A_577 = arith.constant 0 : i32
      %dma_wait3A_578 = arith.constant 0 : i32
      %dma_wait3A_579 = arith.constant 0 : i32
      %dma_wait3A_580 = tpu.memref_slice %arg10[%dma_wait3A_576, %dma_wait3A_578, %dma_wait3A_579] : memref<5x128x128xf32, #tpu.memory_space<vmem>> -> memref<1x128x128xf32, #tpu.memory_space<vmem>>
      %dma_wait3A_581 = tpu.memref_squeeze %dma_wait3A_580 : memref<1x128x128xf32, #tpu.memory_space<vmem>> -> memref<128x128xf32, #tpu.memory_space<vmem>>
      %dma_wait3A_582 = arith.constant 0 : i32
      %dma_wait3A_583 = tpu.memref_slice %arg8[%dma_wait3A_582] : memref<10240xi32, #tpu.memory_space<vmem>> -> memref<128xi32, #tpu.memory_space<vmem>>
      %dma_wait3A_584 = arith.constant 0 : i32
      %dma_wait3A_585 = arith.constant 0 : i32
      %dma_wait3A_586 = tpu.memref_slice %arg4[%dma_wait3A_584, %dma_wait3A_585] : memref<100000x128xf32, #tpu.memory_space<hbm>> -> memref<100000x128xf32, #tpu.memory_space<hbm>>
      %dma_wait3A_587 = tpu.memref_slice %arg13[%dma_wait3A_577] : memref<5x!tpu.dma_semaphore, #tpu.memory_space<semaphore_mem>> -> memref<1x!tpu.dma_semaphore, #tpu.memory_space<semaphore_mem>>
      %dma_wait3A_588 = tpu.memref_squeeze %dma_wait3A_587 : memref<1x!tpu.dma_semaphore, #tpu.memory_space<semaphore_mem>> -> memref<!tpu.dma_semaphore, #tpu.memory_space<semaphore_mem>>
      tpu.wait_indirect_dma semaphore(%dma_wait3A_588 : memref<!tpu.dma_semaphore, #tpu.memory_space<semaphore_mem>>) src(%dma_wait3A_586 : memref<100000x128xf32, #tpu.memory_space<hbm>>) dst(%dma_wait3A_581 : memref<128x128xf32, #tpu.memory_space<vmem>>)
      %add3A_589 = arith.constant 0 : i32
      %add3A_590 = arith.addi %mul3A_575, %add3A_589 : i32
      %mul3A_591 = arith.constant 128 : i32
      %mul3A_592 = arith.muli %add3A_590, %mul3A_591 : i32
      %add3A_593 = arith.addi %mul3A_8, %mul3A_592 : i32
      %dma_start3A_594 = arith.constant 0 : i32
      %dma_start3A_595 = arith.constant 0 : i32
      %dma_start3A_596 = arith.constant 0 : i32
      %dma_start3A_597 = arith.constant 0 : i32
      %dma_start3A_598 = tpu.memref_slice %arg10[%dma_start3A_594, %dma_start3A_596, %dma_start3A_597] : memref<5x128x128xf32, #tpu.memory_space<vmem>> -> memref<1x128x128xf32, #tpu.memory_space<vmem>>
      %dma_start3A_599 = tpu.memref_squeeze %dma_start3A_598 : memref<1x128x128xf32, #tpu.memory_space<vmem>> -> memref<128x128xf32, #tpu.memory_space<vmem>>
      %dma_start3A_600 = arith.constant 0 : i32
      %dma_start3A_601 = tpu.memref_slice %arg6[%add3A_593, %dma_start3A_600] : memref<327680x128xf32, #tpu.memory_space<hbm>> -> memref<128x128xf32, #tpu.memory_space<hbm>>
      %dma_start3A_602 = tpu.memref_slice %arg14[%dma_start3A_595] : memref<5x!tpu.dma_semaphore, #tpu.memory_space<semaphore_mem>> -> memref<1x!tpu.dma_semaphore, #tpu.memory_space<semaphore_mem>>
      %dma_start3A_603 = tpu.memref_squeeze %dma_start3A_602 : memref<1x!tpu.dma_semaphore, #tpu.memory_space<semaphore_mem>> -> memref<!tpu.dma_semaphore, #tpu.memory_space<semaphore_mem>>
      %dma_start3A_604 = arith.constant 0 : i32
      %dma_start3A_605 = tpu.memref_slice %arg6[%add3A_593, %dma_start3A_604] : memref<327680x128xf32, #tpu.memory_space<hbm>> -> memref<128x128xf32, #tpu.memory_space<hbm>>
      %dma_start3A_606 = arith.constant 0 : i32
      %dma_start3A_607 = arith.constant 0 : i32
      %dma_start3A_608 = tpu.memref_slice %arg10[%dma_start3A_594, %dma_start3A_606, %dma_start3A_607] : memref<5x128x128xf32, #tpu.memory_space<vmem>> -> memref<1x128x128xf32, #tpu.memory_space<vmem>>
      %dma_start3A_609 = tpu.memref_squeeze %dma_start3A_608 : memref<1x128x128xf32, #tpu.memory_space<vmem>> -> memref<128x128xf32, #tpu.memory_space<vmem>>
      tpu.enqueue_dma source(%dma_start3A_609 : memref<128x128xf32, #tpu.memory_space<vmem>>) target(%dma_start3A_605 : memref<128x128xf32, #tpu.memory_space<hbm>>) target_semaphore(%dma_start3A_603 : memref<!tpu.dma_semaphore, #tpu.memory_space<semaphore_mem>>)
      %dma_wait3A_610 = arith.constant 0 : i32
      %dma_wait3A_611 = arith.constant 0 : i32
      %dma_wait3A_612 = arith.constant 0 : i32
      %dma_wait3A_613 = arith.constant 0 : i32
      %dma_wait3A_614 = tpu.memref_slice %arg10[%dma_wait3A_610, %dma_wait3A_612, %dma_wait3A_613] : memref<5x128x128xf32, #tpu.memory_space<vmem>> -> memref<1x128x128xf32, #tpu.memory_space<vmem>>
      %dma_wait3A_615 = tpu.memref_squeeze %dma_wait3A_614 : memref<1x128x128xf32, #tpu.memory_space<vmem>> -> memref<128x128xf32, #tpu.memory_space<vmem>>
      %dma_wait3A_616 = arith.constant 0 : i32
      %dma_wait3A_617 = tpu.memref_slice %arg6[%mul3A_8, %dma_wait3A_616] : memref<327680x128xf32, #tpu.memory_space<hbm>> -> memref<128x128xf32, #tpu.memory_space<hbm>>
      %dma_wait3A_618 = tpu.memref_slice %arg14[%dma_wait3A_611] : memref<5x!tpu.dma_semaphore, #tpu.memory_space<semaphore_mem>> -> memref<1x!tpu.dma_semaphore, #tpu.memory_space<semaphore_mem>>
      %dma_wait3A_619 = tpu.memref_squeeze %dma_wait3A_618 : memref<1x!tpu.dma_semaphore, #tpu.memory_space<semaphore_mem>> -> memref<!tpu.dma_semaphore, #tpu.memory_space<semaphore_mem>>
      %dma_wait3A_620 = arith.constant 0 : i32
      %dma_wait3A_621 = tpu.memref_slice %arg6[%mul3A_8, %dma_wait3A_620] : memref<327680x128xf32, #tpu.memory_space<hbm>> -> memref<128x128xf32, #tpu.memory_space<hbm>>
      %dma_wait3A_622 = arith.constant 0 : i32
      %dma_wait3A_623 = arith.constant 0 : i32
      %dma_wait3A_624 = tpu.memref_slice %arg10[%dma_wait3A_610, %dma_wait3A_622, %dma_wait3A_623] : memref<5x128x128xf32, #tpu.memory_space<vmem>> -> memref<1x128x128xf32, #tpu.memory_space<vmem>>
      %dma_wait3A_625 = tpu.memref_squeeze %dma_wait3A_624 : memref<1x128x128xf32, #tpu.memory_space<vmem>> -> memref<128x128xf32, #tpu.memory_space<vmem>>
      tpu.wait_dma2 semaphore(%dma_wait3A_619 : memref<!tpu.dma_semaphore, #tpu.memory_space<semaphore_mem>>) src(%dma_wait3A_625 : memref<128x128xf32, #tpu.memory_space<vmem>>) dst(%dma_wait3A_621 : memref<128x128xf32, #tpu.memory_space<hbm>>)
      %add3A_626 = arith.constant 0 : i32
      %add3A_627 = arith.addi %mul3A_575, %add3A_626 : i32
      %add3A_628 = arith.constant 5 : i32
      %add3A_629 = arith.addi %add3A_627, %add3A_628 : i32
      %mul3A_630 = arith.constant 128 : i32
      %mul3A_631 = arith.muli %add3A_629, %mul3A_630 : i32
      %dma_start3A_632 = arith.constant 0 : i32
      %dma_start3A_633 = arith.constant 0 : i32
      %dma_start3A_634 = arith.constant 0 : i32
      %dma_start3A_635 = arith.constant 0 : i32
      %dma_start3A_636 = tpu.memref_slice %arg10[%dma_start3A_632, %dma_start3A_634, %dma_start3A_635] : memref<5x128x128xf32, #tpu.memory_space<vmem>> -> memref<1x128x128xf32, #tpu.memory_space<vmem>>
      %dma_start3A_637 = tpu.memref_squeeze %dma_start3A_636 : memref<1x128x128xf32, #tpu.memory_space<vmem>> -> memref<128x128xf32, #tpu.memory_space<vmem>>
      %dma_start3A_638 = tpu.memref_slice %arg8[%mul3A_631] : memref<10240xi32, #tpu.memory_space<vmem>> -> memref<128xi32, #tpu.memory_space<vmem>>
      %dma_start3A_639 = arith.constant 0 : i32
      %dma_start3A_640 = arith.constant 0 : i32
      %dma_start3A_641 = tpu.memref_slice %arg4[%dma_start3A_639, %dma_start3A_640] : memref<100000x128xf32, #tpu.memory_space<hbm>> -> memref<100000x128xf32, #tpu.memory_space<hbm>>
      %dma_start3A_642 = tpu.memref_slice %arg13[%dma_start3A_633] : memref<5x!tpu.dma_semaphore, #tpu.memory_space<semaphore_mem>> -> memref<1x!tpu.dma_semaphore, #tpu.memory_space<semaphore_mem>>
      %dma_start3A_643 = tpu.memref_squeeze %dma_start3A_642 : memref<1x!tpu.dma_semaphore, #tpu.memory_space<semaphore_mem>> -> memref<!tpu.dma_semaphore, #tpu.memory_space<semaphore_mem>>
      tpu.enqueue_indirect_dma source(%dma_start3A_641 : memref<100000x128xf32, #tpu.memory_space<hbm>>) target(%dma_start3A_637 : memref<128x128xf32, #tpu.memory_space<vmem>>) offsets(%dma_start3A_638 : memref<128xi32, #tpu.memory_space<vmem>>) semaphore(%dma_start3A_643 : memref<!tpu.dma_semaphore, #tpu.memory_space<semaphore_mem>>)
      %dma_wait3A_644 = arith.constant 1 : i32
      %dma_wait3A_645 = arith.constant 1 : i32
      %dma_wait3A_646 = arith.constant 0 : i32
      %dma_wait3A_647 = arith.constant 0 : i32
      %dma_wait3A_648 = tpu.memref_slice %arg10[%dma_wait3A_644, %dma_wait3A_646, %dma_wait3A_647] : memref<5x128x128xf32, #tpu.memory_space<vmem>> -> memref<1x128x128xf32, #tpu.memory_space<vmem>>
      %dma_wait3A_649 = tpu.memref_squeeze %dma_wait3A_648 : memref<1x128x128xf32, #tpu.memory_space<vmem>> -> memref<128x128xf32, #tpu.memory_space<vmem>>
      %dma_wait3A_650 = arith.constant 0 : i32
      %dma_wait3A_651 = tpu.memref_slice %arg8[%dma_wait3A_650] : memref<10240xi32, #tpu.memory_space<vmem>> -> memref<128xi32, #tpu.memory_space<vmem>>
      %dma_wait3A_652 = arith.constant 0 : i32
      %dma_wait3A_653 = arith.constant 0 : i32
      %dma_wait3A_654 = tpu.memref_slice %arg4[%dma_wait3A_652, %dma_wait3A_653] : memref<100000x128xf32, #tpu.memory_space<hbm>> -> memref<100000x128xf32, #tpu.memory_space<hbm>>
      %dma_wait3A_655 = tpu.memref_slice %arg13[%dma_wait3A_645] : memref<5x!tpu.dma_semaphore, #tpu.memory_space<semaphore_mem>> -> memref<1x!tpu.dma_semaphore, #tpu.memory_space<semaphore_mem>>
      %dma_wait3A_656 = tpu.memref_squeeze %dma_wait3A_655 : memref<1x!tpu.dma_semaphore, #tpu.memory_space<semaphore_mem>> -> memref<!tpu.dma_semaphore, #tpu.memory_space<semaphore_mem>>
      tpu.wait_indirect_dma semaphore(%dma_wait3A_656 : memref<!tpu.dma_semaphore, #tpu.memory_space<semaphore_mem>>) src(%dma_wait3A_654 : memref<100000x128xf32, #tpu.memory_space<hbm>>) dst(%dma_wait3A_649 : memref<128x128xf32, #tpu.memory_space<vmem>>)
      %add3A_657 = arith.constant 1 : i32
      %add3A_658 = arith.addi %mul3A_575, %add3A_657 : i32
      %mul3A_659 = arith.constant 128 : i32
      %mul3A_660 = arith.muli %add3A_658, %mul3A_659 : i32
      %add3A_661 = arith.addi %mul3A_8, %mul3A_660 : i32
      %dma_start3A_662 = arith.constant 1 : i32
      %dma_start3A_663 = arith.constant 1 : i32
      %dma_start3A_664 = arith.constant 0 : i32
      %dma_start3A_665 = arith.constant 0 : i32
      %dma_start3A_666 = tpu.memref_slice %arg10[%dma_start3A_662, %dma_start3A_664, %dma_start3A_665] : memref<5x128x128xf32, #tpu.memory_space<vmem>> -> memref<1x128x128xf32, #tpu.memory_space<vmem>>
      %dma_start3A_667 = tpu.memref_squeeze %dma_start3A_666 : memref<1x128x128xf32, #tpu.memory_space<vmem>> -> memref<128x128xf32, #tpu.memory_space<vmem>>
      %dma_start3A_668 = arith.constant 0 : i32
      %dma_start3A_669 = tpu.memref_slice %arg6[%add3A_661, %dma_start3A_668] : memref<327680x128xf32, #tpu.memory_space<hbm>> -> memref<128x128xf32, #tpu.memory_space<hbm>>
      %dma_start3A_670 = tpu.memref_slice %arg14[%dma_start3A_663] : memref<5x!tpu.dma_semaphore, #tpu.memory_space<semaphore_mem>> -> memref<1x!tpu.dma_semaphore, #tpu.memory_space<semaphore_mem>>
      %dma_start3A_671 = tpu.memref_squeeze %dma_start3A_670 : memref<1x!tpu.dma_semaphore, #tpu.memory_space<semaphore_mem>> -> memref<!tpu.dma_semaphore, #tpu.memory_space<semaphore_mem>>
      %dma_start3A_672 = arith.constant 0 : i32
      %dma_start3A_673 = tpu.memref_slice %arg6[%add3A_661, %dma_start3A_672] : memref<327680x128xf32, #tpu.memory_space<hbm>> -> memref<128x128xf32, #tpu.memory_space<hbm>>
      %dma_start3A_674 = arith.constant 0 : i32
      %dma_start3A_675 = arith.constant 0 : i32
      %dma_start3A_676 = tpu.memref_slice %arg10[%dma_start3A_662, %dma_start3A_674, %dma_start3A_675] : memref<5x128x128xf32, #tpu.memory_space<vmem>> -> memref<1x128x128xf32, #tpu.memory_space<vmem>>
      %dma_start3A_677 = tpu.memref_squeeze %dma_start3A_676 : memref<1x128x128xf32, #tpu.memory_space<vmem>> -> memref<128x128xf32, #tpu.memory_space<vmem>>
      tpu.enqueue_dma source(%dma_start3A_677 : memref<128x128xf32, #tpu.memory_space<vmem>>) target(%dma_start3A_673 : memref<128x128xf32, #tpu.memory_space<hbm>>) target_semaphore(%dma_start3A_671 : memref<!tpu.dma_semaphore, #tpu.memory_space<semaphore_mem>>)
      %dma_wait3A_678 = arith.constant 1 : i32
      %dma_wait3A_679 = arith.constant 1 : i32
      %dma_wait3A_680 = arith.constant 0 : i32
      %dma_wait3A_681 = arith.constant 0 : i32
      %dma_wait3A_682 = tpu.memref_slice %arg10[%dma_wait3A_678, %dma_wait3A_680, %dma_wait3A_681] : memref<5x128x128xf32, #tpu.memory_space<vmem>> -> memref<1x128x128xf32, #tpu.memory_space<vmem>>
      %dma_wait3A_683 = tpu.memref_squeeze %dma_wait3A_682 : memref<1x128x128xf32, #tpu.memory_space<vmem>> -> memref<128x128xf32, #tpu.memory_space<vmem>>
      %dma_wait3A_684 = arith.constant 0 : i32
      %dma_wait3A_685 = tpu.memref_slice %arg6[%mul3A_8, %dma_wait3A_684] : memref<327680x128xf32, #tpu.memory_space<hbm>> -> memref<128x128xf32, #tpu.memory_space<hbm>>
      %dma_wait3A_686 = tpu.memref_slice %arg14[%dma_wait3A_679] : memref<5x!tpu.dma_semaphore, #tpu.memory_space<semaphore_mem>> -> memref<1x!tpu.dma_semaphore, #tpu.memory_space<semaphore_mem>>
      %dma_wait3A_687 = tpu.memref_squeeze %dma_wait3A_686 : memref<1x!tpu.dma_semaphore, #tpu.memory_space<semaphore_mem>> -> memref<!tpu.dma_semaphore, #tpu.memory_space<semaphore_mem>>
      %dma_wait3A_688 = arith.constant 0 : i32
      %dma_wait3A_689 = tpu.memref_slice %arg6[%mul3A_8, %dma_wait3A_688] : memref<327680x128xf32, #tpu.memory_space<hbm>> -> memref<128x128xf32, #tpu.memory_space<hbm>>
      %dma_wait3A_690 = arith.constant 0 : i32
      %dma_wait3A_691 = arith.constant 0 : i32
      %dma_wait3A_692 = tpu.memref_slice %arg10[%dma_wait3A_678, %dma_wait3A_690, %dma_wait3A_691] : memref<5x128x128xf32, #tpu.memory_space<vmem>> -> memref<1x128x128xf32, #tpu.memory_space<vmem>>
      %dma_wait3A_693 = tpu.memref_squeeze %dma_wait3A_692 : memref<1x128x128xf32, #tpu.memory_space<vmem>> -> memref<128x128xf32, #tpu.memory_space<vmem>>
      tpu.wait_dma2 semaphore(%dma_wait3A_687 : memref<!tpu.dma_semaphore, #tpu.memory_space<semaphore_mem>>) src(%dma_wait3A_693 : memref<128x128xf32, #tpu.memory_space<vmem>>) dst(%dma_wait3A_689 : memref<128x128xf32, #tpu.memory_space<hbm>>)
      %add3A_694 = arith.constant 1 : i32
      %add3A_695 = arith.addi %mul3A_575, %add3A_694 : i32
      %add3A_696 = arith.constant 5 : i32
      %add3A_697 = arith.addi %add3A_695, %add3A_696 : i32
      %mul3A_698 = arith.constant 128 : i32
      %mul3A_699 = arith.muli %add3A_697, %mul3A_698 : i32
      %dma_start3A_700 = arith.constant 1 : i32
      %dma_start3A_701 = arith.constant 1 : i32
      %dma_start3A_702 = arith.constant 0 : i32
      %dma_start3A_703 = arith.constant 0 : i32
      %dma_start3A_704 = tpu.memref_slice %arg10[%dma_start3A_700, %dma_start3A_702, %dma_start3A_703] : memref<5x128x128xf32, #tpu.memory_space<vmem>> -> memref<1x128x128xf32, #tpu.memory_space<vmem>>
      %dma_start3A_705 = tpu.memref_squeeze %dma_start3A_704 : memref<1x128x128xf32, #tpu.memory_space<vmem>> -> memref<128x128xf32, #tpu.memory_space<vmem>>
      %dma_start3A_706 = tpu.memref_slice %arg8[%mul3A_699] : memref<10240xi32, #tpu.memory_space<vmem>> -> memref<128xi32, #tpu.memory_space<vmem>>
      %dma_start3A_707 = arith.constant 0 : i32
      %dma_start3A_708 = arith.constant 0 : i32
      %dma_start3A_709 = tpu.memref_slice %arg4[%dma_start3A_707, %dma_start3A_708] : memref<100000x128xf32, #tpu.memory_space<hbm>> -> memref<100000x128xf32, #tpu.memory_space<hbm>>
      %dma_start3A_710 = tpu.memref_slice %arg13[%dma_start3A_701] : memref<5x!tpu.dma_semaphore, #tpu.memory_space<semaphore_mem>> -> memref<1x!tpu.dma_semaphore, #tpu.memory_space<semaphore_mem>>
      %dma_start3A_711 = tpu.memref_squeeze %dma_start3A_710 : memref<1x!tpu.dma_semaphore, #tpu.memory_space<semaphore_mem>> -> memref<!tpu.dma_semaphore, #tpu.memory_space<semaphore_mem>>
      tpu.enqueue_indirect_dma source(%dma_start3A_709 : memref<100000x128xf32, #tpu.memory_space<hbm>>) target(%dma_start3A_705 : memref<128x128xf32, #tpu.memory_space<vmem>>) offsets(%dma_start3A_706 : memref<128xi32, #tpu.memory_space<vmem>>) semaphore(%dma_start3A_711 : memref<!tpu.dma_semaphore, #tpu.memory_space<semaphore_mem>>)
      %dma_wait3A_712 = arith.constant 2 : i32
      %dma_wait3A_713 = arith.constant 2 : i32
      %dma_wait3A_714 = arith.constant 0 : i32
      %dma_wait3A_715 = arith.constant 0 : i32
      %dma_wait3A_716 = tpu.memref_slice %arg10[%dma_wait3A_712, %dma_wait3A_714, %dma_wait3A_715] : memref<5x128x128xf32, #tpu.memory_space<vmem>> -> memref<1x128x128xf32, #tpu.memory_space<vmem>>
      %dma_wait3A_717 = tpu.memref_squeeze %dma_wait3A_716 : memref<1x128x128xf32, #tpu.memory_space<vmem>> -> memref<128x128xf32, #tpu.memory_space<vmem>>
      %dma_wait3A_718 = arith.constant 0 : i32
      %dma_wait3A_719 = tpu.memref_slice %arg8[%dma_wait3A_718] : memref<10240xi32, #tpu.memory_space<vmem>> -> memref<128xi32, #tpu.memory_space<vmem>>
      %dma_wait3A_720 = arith.constant 0 : i32
      %dma_wait3A_721 = arith.constant 0 : i32
      %dma_wait3A_722 = tpu.memref_slice %arg4[%dma_wait3A_720, %dma_wait3A_721] : memref<100000x128xf32, #tpu.memory_space<hbm>> -> memref<100000x128xf32, #tpu.memory_space<hbm>>
      %dma_wait3A_723 = tpu.memref_slice %arg13[%dma_wait3A_713] : memref<5x!tpu.dma_semaphore, #tpu.memory_space<semaphore_mem>> -> memref<1x!tpu.dma_semaphore, #tpu.memory_space<semaphore_mem>>
      %dma_wait3A_724 = tpu.memref_squeeze %dma_wait3A_723 : memref<1x!tpu.dma_semaphore, #tpu.memory_space<semaphore_mem>> -> memref<!tpu.dma_semaphore, #tpu.memory_space<semaphore_mem>>
      tpu.wait_indirect_dma semaphore(%dma_wait3A_724 : memref<!tpu.dma_semaphore, #tpu.memory_space<semaphore_mem>>) src(%dma_wait3A_722 : memref<100000x128xf32, #tpu.memory_space<hbm>>) dst(%dma_wait3A_717 : memref<128x128xf32, #tpu.memory_space<vmem>>)
      %add3A_725 = arith.constant 2 : i32
      %add3A_726 = arith.addi %mul3A_575, %add3A_725 : i32
      %mul3A_727 = arith.constant 128 : i32
      %mul3A_728 = arith.muli %add3A_726, %mul3A_727 : i32
      %add3A_729 = arith.addi %mul3A_8, %mul3A_728 : i32
      %dma_start3A_730 = arith.constant 2 : i32
      %dma_start3A_731 = arith.constant 2 : i32
      %dma_start3A_732 = arith.constant 0 : i32
      %dma_start3A_733 = arith.constant 0 : i32
      %dma_start3A_734 = tpu.memref_slice %arg10[%dma_start3A_730, %dma_start3A_732, %dma_start3A_733] : memref<5x128x128xf32, #tpu.memory_space<vmem>> -> memref<1x128x128xf32, #tpu.memory_space<vmem>>
      %dma_start3A_735 = tpu.memref_squeeze %dma_start3A_734 : memref<1x128x128xf32, #tpu.memory_space<vmem>> -> memref<128x128xf32, #tpu.memory_space<vmem>>
      %dma_start3A_736 = arith.constant 0 : i32
      %dma_start3A_737 = tpu.memref_slice %arg6[%add3A_729, %dma_start3A_736] : memref<327680x128xf32, #tpu.memory_space<hbm>> -> memref<128x128xf32, #tpu.memory_space<hbm>>
      %dma_start3A_738 = tpu.memref_slice %arg14[%dma_start3A_731] : memref<5x!tpu.dma_semaphore, #tpu.memory_space<semaphore_mem>> -> memref<1x!tpu.dma_semaphore, #tpu.memory_space<semaphore_mem>>
      %dma_start3A_739 = tpu.memref_squeeze %dma_start3A_738 : memref<1x!tpu.dma_semaphore, #tpu.memory_space<semaphore_mem>> -> memref<!tpu.dma_semaphore, #tpu.memory_space<semaphore_mem>>
      %dma_start3A_740 = arith.constant 0 : i32
      %dma_start3A_741 = tpu.memref_slice %arg6[%add3A_729, %dma_start3A_740] : memref<327680x128xf32, #tpu.memory_space<hbm>> -> memref<128x128xf32, #tpu.memory_space<hbm>>
      %dma_start3A_742 = arith.constant 0 : i32
      %dma_start3A_743 = arith.constant 0 : i32
      %dma_start3A_744 = tpu.memref_slice %arg10[%dma_start3A_730, %dma_start3A_742, %dma_start3A_743] : memref<5x128x128xf32, #tpu.memory_space<vmem>> -> memref<1x128x128xf32, #tpu.memory_space<vmem>>
      %dma_start3A_745 = tpu.memref_squeeze %dma_start3A_744 : memref<1x128x128xf32, #tpu.memory_space<vmem>> -> memref<128x128xf32, #tpu.memory_space<vmem>>
      tpu.enqueue_dma source(%dma_start3A_745 : memref<128x128xf32, #tpu.memory_space<vmem>>) target(%dma_start3A_741 : memref<128x128xf32, #tpu.memory_space<hbm>>) target_semaphore(%dma_start3A_739 : memref<!tpu.dma_semaphore, #tpu.memory_space<semaphore_mem>>)
      %dma_wait3A_746 = arith.constant 2 : i32
      %dma_wait3A_747 = arith.constant 2 : i32
      %dma_wait3A_748 = arith.constant 0 : i32
      %dma_wait3A_749 = arith.constant 0 : i32
      %dma_wait3A_750 = tpu.memref_slice %arg10[%dma_wait3A_746, %dma_wait3A_748, %dma_wait3A_749] : memref<5x128x128xf32, #tpu.memory_space<vmem>> -> memref<1x128x128xf32, #tpu.memory_space<vmem>>
      %dma_wait3A_751 = tpu.memref_squeeze %dma_wait3A_750 : memref<1x128x128xf32, #tpu.memory_space<vmem>> -> memref<128x128xf32, #tpu.memory_space<vmem>>
      %dma_wait3A_752 = arith.constant 0 : i32
      %dma_wait3A_753 = tpu.memref_slice %arg6[%mul3A_8, %dma_wait3A_752] : memref<327680x128xf32, #tpu.memory_space<hbm>> -> memref<128x128xf32, #tpu.memory_space<hbm>>
      %dma_wait3A_754 = tpu.memref_slice %arg14[%dma_wait3A_747] : memref<5x!tpu.dma_semaphore, #tpu.memory_space<semaphore_mem>> -> memref<1x!tpu.dma_semaphore, #tpu.memory_space<semaphore_mem>>
      %dma_wait3A_755 = tpu.memref_squeeze %dma_wait3A_754 : memref<1x!tpu.dma_semaphore, #tpu.memory_space<semaphore_mem>> -> memref<!tpu.dma_semaphore, #tpu.memory_space<semaphore_mem>>
      %dma_wait3A_756 = arith.constant 0 : i32
      %dma_wait3A_757 = tpu.memref_slice %arg6[%mul3A_8, %dma_wait3A_756] : memref<327680x128xf32, #tpu.memory_space<hbm>> -> memref<128x128xf32, #tpu.memory_space<hbm>>
      %dma_wait3A_758 = arith.constant 0 : i32
      %dma_wait3A_759 = arith.constant 0 : i32
      %dma_wait3A_760 = tpu.memref_slice %arg10[%dma_wait3A_746, %dma_wait3A_758, %dma_wait3A_759] : memref<5x128x128xf32, #tpu.memory_space<vmem>> -> memref<1x128x128xf32, #tpu.memory_space<vmem>>
      %dma_wait3A_761 = tpu.memref_squeeze %dma_wait3A_760 : memref<1x128x128xf32, #tpu.memory_space<vmem>> -> memref<128x128xf32, #tpu.memory_space<vmem>>
      tpu.wait_dma2 semaphore(%dma_wait3A_755 : memref<!tpu.dma_semaphore, #tpu.memory_space<semaphore_mem>>) src(%dma_wait3A_761 : memref<128x128xf32, #tpu.memory_space<vmem>>) dst(%dma_wait3A_757 : memref<128x128xf32, #tpu.memory_space<hbm>>)
      %add3A_762 = arith.constant 2 : i32
      %add3A_763 = arith.addi %mul3A_575, %add3A_762 : i32
      %add3A_764 = arith.constant 5 : i32
      %add3A_765 = arith.addi %add3A_763, %add3A_764 : i32
      %mul3A_766 = arith.constant 128 : i32
      %mul3A_767 = arith.muli %add3A_765, %mul3A_766 : i32
      %dma_start3A_768 = arith.constant 2 : i32
      %dma_start3A_769 = arith.constant 2 : i32
      %dma_start3A_770 = arith.constant 0 : i32
      %dma_start3A_771 = arith.constant 0 : i32
      %dma_start3A_772 = tpu.memref_slice %arg10[%dma_start3A_768, %dma_start3A_770, %dma_start3A_771] : memref<5x128x128xf32, #tpu.memory_space<vmem>> -> memref<1x128x128xf32, #tpu.memory_space<vmem>>
      %dma_start3A_773 = tpu.memref_squeeze %dma_start3A_772 : memref<1x128x128xf32, #tpu.memory_space<vmem>> -> memref<128x128xf32, #tpu.memory_space<vmem>>
      %dma_start3A_774 = tpu.memref_slice %arg8[%mul3A_767] : memref<10240xi32, #tpu.memory_space<vmem>> -> memref<128xi32, #tpu.memory_space<vmem>>
      %dma_start3A_775 = arith.constant 0 : i32
      %dma_start3A_776 = arith.constant 0 : i32
      %dma_start3A_777 = tpu.memref_slice %arg4[%dma_start3A_775, %dma_start3A_776] : memref<100000x128xf32, #tpu.memory_space<hbm>> -> memref<100000x128xf32, #tpu.memory_space<hbm>>
      %dma_start3A_778 = tpu.memref_slice %arg13[%dma_start3A_769] : memref<5x!tpu.dma_semaphore, #tpu.memory_space<semaphore_mem>> -> memref<1x!tpu.dma_semaphore, #tpu.memory_space<semaphore_mem>>
      %dma_start3A_779 = tpu.memref_squeeze %dma_start3A_778 : memref<1x!tpu.dma_semaphore, #tpu.memory_space<semaphore_mem>> -> memref<!tpu.dma_semaphore, #tpu.memory_space<semaphore_mem>>
      tpu.enqueue_indirect_dma source(%dma_start3A_777 : memref<100000x128xf32, #tpu.memory_space<hbm>>) target(%dma_start3A_773 : memref<128x128xf32, #tpu.memory_space<vmem>>) offsets(%dma_start3A_774 : memref<128xi32, #tpu.memory_space<vmem>>) semaphore(%dma_start3A_779 : memref<!tpu.dma_semaphore, #tpu.memory_space<semaphore_mem>>)
      %dma_wait3A_780 = arith.constant 3 : i32
      %dma_wait3A_781 = arith.constant 3 : i32
      %dma_wait3A_782 = arith.constant 0 : i32
      %dma_wait3A_783 = arith.constant 0 : i32
      %dma_wait3A_784 = tpu.memref_slice %arg10[%dma_wait3A_780, %dma_wait3A_782, %dma_wait3A_783] : memref<5x128x128xf32, #tpu.memory_space<vmem>> -> memref<1x128x128xf32, #tpu.memory_space<vmem>>
      %dma_wait3A_785 = tpu.memref_squeeze %dma_wait3A_784 : memref<1x128x128xf32, #tpu.memory_space<vmem>> -> memref<128x128xf32, #tpu.memory_space<vmem>>
      %dma_wait3A_786 = arith.constant 0 : i32
      %dma_wait3A_787 = tpu.memref_slice %arg8[%dma_wait3A_786] : memref<10240xi32, #tpu.memory_space<vmem>> -> memref<128xi32, #tpu.memory_space<vmem>>
      %dma_wait3A_788 = arith.constant 0 : i32
      %dma_wait3A_789 = arith.constant 0 : i32
      %dma_wait3A_790 = tpu.memref_slice %arg4[%dma_wait3A_788, %dma_wait3A_789] : memref<100000x128xf32, #tpu.memory_space<hbm>> -> memref<100000x128xf32, #tpu.memory_space<hbm>>
      %dma_wait3A_791 = tpu.memref_slice %arg13[%dma_wait3A_781] : memref<5x!tpu.dma_semaphore, #tpu.memory_space<semaphore_mem>> -> memref<1x!tpu.dma_semaphore, #tpu.memory_space<semaphore_mem>>
      %dma_wait3A_792 = tpu.memref_squeeze %dma_wait3A_791 : memref<1x!tpu.dma_semaphore, #tpu.memory_space<semaphore_mem>> -> memref<!tpu.dma_semaphore, #tpu.memory_space<semaphore_mem>>
      tpu.wait_indirect_dma semaphore(%dma_wait3A_792 : memref<!tpu.dma_semaphore, #tpu.memory_space<semaphore_mem>>) src(%dma_wait3A_790 : memref<100000x128xf32, #tpu.memory_space<hbm>>) dst(%dma_wait3A_785 : memref<128x128xf32, #tpu.memory_space<vmem>>)
      %add3A_793 = arith.constant 3 : i32
      %add3A_794 = arith.addi %mul3A_575, %add3A_793 : i32
      %mul3A_795 = arith.constant 128 : i32
      %mul3A_796 = arith.muli %add3A_794, %mul3A_795 : i32
      %add3A_797 = arith.addi %mul3A_8, %mul3A_796 : i32
      %dma_start3A_798 = arith.constant 3 : i32
      %dma_start3A_799 = arith.constant 3 : i32
      %dma_start3A_800 = arith.constant 0 : i32
      %dma_start3A_801 = arith.constant 0 : i32
      %dma_start3A_802 = tpu.memref_slice %arg10[%dma_start3A_798, %dma_start3A_800, %dma_start3A_801] : memref<5x128x128xf32, #tpu.memory_space<vmem>> -> memref<1x128x128xf32, #tpu.memory_space<vmem>>
      %dma_start3A_803 = tpu.memref_squeeze %dma_start3A_802 : memref<1x128x128xf32, #tpu.memory_space<vmem>> -> memref<128x128xf32, #tpu.memory_space<vmem>>
      %dma_start3A_804 = arith.constant 0 : i32
      %dma_start3A_805 = tpu.memref_slice %arg6[%add3A_797, %dma_start3A_804] : memref<327680x128xf32, #tpu.memory_space<hbm>> -> memref<128x128xf32, #tpu.memory_space<hbm>>
      %dma_start3A_806 = tpu.memref_slice %arg14[%dma_start3A_799] : memref<5x!tpu.dma_semaphore, #tpu.memory_space<semaphore_mem>> -> memref<1x!tpu.dma_semaphore, #tpu.memory_space<semaphore_mem>>
      %dma_start3A_807 = tpu.memref_squeeze %dma_start3A_806 : memref<1x!tpu.dma_semaphore, #tpu.memory_space<semaphore_mem>> -> memref<!tpu.dma_semaphore, #tpu.memory_space<semaphore_mem>>
      %dma_start3A_808 = arith.constant 0 : i32
      %dma_start3A_809 = tpu.memref_slice %arg6[%add3A_797, %dma_start3A_808] : memref<327680x128xf32, #tpu.memory_space<hbm>> -> memref<128x128xf32, #tpu.memory_space<hbm>>
      %dma_start3A_810 = arith.constant 0 : i32
      %dma_start3A_811 = arith.constant 0 : i32
      %dma_start3A_812 = tpu.memref_slice %arg10[%dma_start3A_798, %dma_start3A_810, %dma_start3A_811] : memref<5x128x128xf32, #tpu.memory_space<vmem>> -> memref<1x128x128xf32, #tpu.memory_space<vmem>>
      %dma_start3A_813 = tpu.memref_squeeze %dma_start3A_812 : memref<1x128x128xf32, #tpu.memory_space<vmem>> -> memref<128x128xf32, #tpu.memory_space<vmem>>
      tpu.enqueue_dma source(%dma_start3A_813 : memref<128x128xf32, #tpu.memory_space<vmem>>) target(%dma_start3A_809 : memref<128x128xf32, #tpu.memory_space<hbm>>) target_semaphore(%dma_start3A_807 : memref<!tpu.dma_semaphore, #tpu.memory_space<semaphore_mem>>)
      %dma_wait3A_814 = arith.constant 3 : i32
      %dma_wait3A_815 = arith.constant 3 : i32
      %dma_wait3A_816 = arith.constant 0 : i32
      %dma_wait3A_817 = arith.constant 0 : i32
      %dma_wait3A_818 = tpu.memref_slice %arg10[%dma_wait3A_814, %dma_wait3A_816, %dma_wait3A_817] : memref<5x128x128xf32, #tpu.memory_space<vmem>> -> memref<1x128x128xf32, #tpu.memory_space<vmem>>
      %dma_wait3A_819 = tpu.memref_squeeze %dma_wait3A_818 : memref<1x128x128xf32, #tpu.memory_space<vmem>> -> memref<128x128xf32, #tpu.memory_space<vmem>>
      %dma_wait3A_820 = arith.constant 0 : i32
      %dma_wait3A_821 = tpu.memref_slice %arg6[%mul3A_8, %dma_wait3A_820] : memref<327680x128xf32, #tpu.memory_space<hbm>> -> memref<128x128xf32, #tpu.memory_space<hbm>>
      %dma_wait3A_822 = tpu.memref_slice %arg14[%dma_wait3A_815] : memref<5x!tpu.dma_semaphore, #tpu.memory_space<semaphore_mem>> -> memref<1x!tpu.dma_semaphore, #tpu.memory_space<semaphore_mem>>
      %dma_wait3A_823 = tpu.memref_squeeze %dma_wait3A_822 : memref<1x!tpu.dma_semaphore, #tpu.memory_space<semaphore_mem>> -> memref<!tpu.dma_semaphore, #tpu.memory_space<semaphore_mem>>
      %dma_wait3A_824 = arith.constant 0 : i32
      %dma_wait3A_825 = tpu.memref_slice %arg6[%mul3A_8, %dma_wait3A_824] : memref<327680x128xf32, #tpu.memory_space<hbm>> -> memref<128x128xf32, #tpu.memory_space<hbm>>
      %dma_wait3A_826 = arith.constant 0 : i32
      %dma_wait3A_827 = arith.constant 0 : i32
      %dma_wait3A_828 = tpu.memref_slice %arg10[%dma_wait3A_814, %dma_wait3A_826, %dma_wait3A_827] : memref<5x128x128xf32, #tpu.memory_space<vmem>> -> memref<1x128x128xf32, #tpu.memory_space<vmem>>
      %dma_wait3A_829 = tpu.memref_squeeze %dma_wait3A_828 : memref<1x128x128xf32, #tpu.memory_space<vmem>> -> memref<128x128xf32, #tpu.memory_space<vmem>>
      tpu.wait_dma2 semaphore(%dma_wait3A_823 : memref<!tpu.dma_semaphore, #tpu.memory_space<semaphore_mem>>) src(%dma_wait3A_829 : memref<128x128xf32, #tpu.memory_space<vmem>>) dst(%dma_wait3A_825 : memref<128x128xf32, #tpu.memory_space<hbm>>)
      %add3A_830 = arith.constant 3 : i32
      %add3A_831 = arith.addi %mul3A_575, %add3A_830 : i32
      %add3A_832 = arith.constant 5 : i32
      %add3A_833 = arith.addi %add3A_831, %add3A_832 : i32
      %mul3A_834 = arith.constant 128 : i32
      %mul3A_835 = arith.muli %add3A_833, %mul3A_834 : i32
      %dma_start3A_836 = arith.constant 3 : i32
      %dma_start3A_837 = arith.constant 3 : i32
      %dma_start3A_838 = arith.constant 0 : i32
      %dma_start3A_839 = arith.constant 0 : i32
      %dma_start3A_840 = tpu.memref_slice %arg10[%dma_start3A_836, %dma_start3A_838, %dma_start3A_839] : memref<5x128x128xf32, #tpu.memory_space<vmem>> -> memref<1x128x128xf32, #tpu.memory_space<vmem>>
      %dma_start3A_841 = tpu.memref_squeeze %dma_start3A_840 : memref<1x128x128xf32, #tpu.memory_space<vmem>> -> memref<128x128xf32, #tpu.memory_space<vmem>>
      %dma_start3A_842 = tpu.memref_slice %arg8[%mul3A_835] : memref<10240xi32, #tpu.memory_space<vmem>> -> memref<128xi32, #tpu.memory_space<vmem>>
      %dma_start3A_843 = arith.constant 0 : i32
      %dma_start3A_844 = arith.constant 0 : i32
      %dma_start3A_845 = tpu.memref_slice %arg4[%dma_start3A_843, %dma_start3A_844] : memref<100000x128xf32, #tpu.memory_space<hbm>> -> memref<100000x128xf32, #tpu.memory_space<hbm>>
      %dma_start3A_846 = tpu.memref_slice %arg13[%dma_start3A_837] : memref<5x!tpu.dma_semaphore, #tpu.memory_space<semaphore_mem>> -> memref<1x!tpu.dma_semaphore, #tpu.memory_space<semaphore_mem>>
      %dma_start3A_847 = tpu.memref_squeeze %dma_start3A_846 : memref<1x!tpu.dma_semaphore, #tpu.memory_space<semaphore_mem>> -> memref<!tpu.dma_semaphore, #tpu.memory_space<semaphore_mem>>
      tpu.enqueue_indirect_dma source(%dma_start3A_845 : memref<100000x128xf32, #tpu.memory_space<hbm>>) target(%dma_start3A_841 : memref<128x128xf32, #tpu.memory_space<vmem>>) offsets(%dma_start3A_842 : memref<128xi32, #tpu.memory_space<vmem>>) semaphore(%dma_start3A_847 : memref<!tpu.dma_semaphore, #tpu.memory_space<semaphore_mem>>)
      %dma_wait3A_848 = arith.constant 4 : i32
      %dma_wait3A_849 = arith.constant 4 : i32
      %dma_wait3A_850 = arith.constant 0 : i32
      %dma_wait3A_851 = arith.constant 0 : i32
      %dma_wait3A_852 = tpu.memref_slice %arg10[%dma_wait3A_848, %dma_wait3A_850, %dma_wait3A_851] : memref<5x128x128xf32, #tpu.memory_space<vmem>> -> memref<1x128x128xf32, #tpu.memory_space<vmem>>
      %dma_wait3A_853 = tpu.memref_squeeze %dma_wait3A_852 : memref<1x128x128xf32, #tpu.memory_space<vmem>> -> memref<128x128xf32, #tpu.memory_space<vmem>>
      %dma_wait3A_854 = arith.constant 0 : i32
      %dma_wait3A_855 = tpu.memref_slice %arg8[%dma_wait3A_854] : memref<10240xi32, #tpu.memory_space<vmem>> -> memref<128xi32, #tpu.memory_space<vmem>>
      %dma_wait3A_856 = arith.constant 0 : i32
      %dma_wait3A_857 = arith.constant 0 : i32
      %dma_wait3A_858 = tpu.memref_slice %arg4[%dma_wait3A_856, %dma_wait3A_857] : memref<100000x128xf32, #tpu.memory_space<hbm>> -> memref<100000x128xf32, #tpu.memory_space<hbm>>
      %dma_wait3A_859 = tpu.memref_slice %arg13[%dma_wait3A_849] : memref<5x!tpu.dma_semaphore, #tpu.memory_space<semaphore_mem>> -> memref<1x!tpu.dma_semaphore, #tpu.memory_space<semaphore_mem>>
      %dma_wait3A_860 = tpu.memref_squeeze %dma_wait3A_859 : memref<1x!tpu.dma_semaphore, #tpu.memory_space<semaphore_mem>> -> memref<!tpu.dma_semaphore, #tpu.memory_space<semaphore_mem>>
      tpu.wait_indirect_dma semaphore(%dma_wait3A_860 : memref<!tpu.dma_semaphore, #tpu.memory_space<semaphore_mem>>) src(%dma_wait3A_858 : memref<100000x128xf32, #tpu.memory_space<hbm>>) dst(%dma_wait3A_853 : memref<128x128xf32, #tpu.memory_space<vmem>>)
      %add3A_861 = arith.constant 4 : i32
      %add3A_862 = arith.addi %mul3A_575, %add3A_861 : i32
      %mul3A_863 = arith.constant 128 : i32
      %mul3A_864 = arith.muli %add3A_862, %mul3A_863 : i32
      %add3A_865 = arith.addi %mul3A_8, %mul3A_864 : i32
      %dma_start3A_866 = arith.constant 4 : i32
      %dma_start3A_867 = arith.constant 4 : i32
      %dma_start3A_868 = arith.constant 0 : i32
      %dma_start3A_869 = arith.constant 0 : i32
      %dma_start3A_870 = tpu.memref_slice %arg10[%dma_start3A_866, %dma_start3A_868, %dma_start3A_869] : memref<5x128x128xf32, #tpu.memory_space<vmem>> -> memref<1x128x128xf32, #tpu.memory_space<vmem>>
      %dma_start3A_871 = tpu.memref_squeeze %dma_start3A_870 : memref<1x128x128xf32, #tpu.memory_space<vmem>> -> memref<128x128xf32, #tpu.memory_space<vmem>>
      %dma_start3A_872 = arith.constant 0 : i32
      %dma_start3A_873 = tpu.memref_slice %arg6[%add3A_865, %dma_start3A_872] : memref<327680x128xf32, #tpu.memory_space<hbm>> -> memref<128x128xf32, #tpu.memory_space<hbm>>
      %dma_start3A_874 = tpu.memref_slice %arg14[%dma_start3A_867] : memref<5x!tpu.dma_semaphore, #tpu.memory_space<semaphore_mem>> -> memref<1x!tpu.dma_semaphore, #tpu.memory_space<semaphore_mem>>
      %dma_start3A_875 = tpu.memref_squeeze %dma_start3A_874 : memref<1x!tpu.dma_semaphore, #tpu.memory_space<semaphore_mem>> -> memref<!tpu.dma_semaphore, #tpu.memory_space<semaphore_mem>>
      %dma_start3A_876 = arith.constant 0 : i32
      %dma_start3A_877 = tpu.memref_slice %arg6[%add3A_865, %dma_start3A_876] : memref<327680x128xf32, #tpu.memory_space<hbm>> -> memref<128x128xf32, #tpu.memory_space<hbm>>
      %dma_start3A_878 = arith.constant 0 : i32
      %dma_start3A_879 = arith.constant 0 : i32
      %dma_start3A_880 = tpu.memref_slice %arg10[%dma_start3A_866, %dma_start3A_878, %dma_start3A_879] : memref<5x128x128xf32, #tpu.memory_space<vmem>> -> memref<1x128x128xf32, #tpu.memory_space<vmem>>
      %dma_start3A_881 = tpu.memref_squeeze %dma_start3A_880 : memref<1x128x128xf32, #tpu.memory_space<vmem>> -> memref<128x128xf32, #tpu.memory_space<vmem>>
      tpu.enqueue_dma source(%dma_start3A_881 : memref<128x128xf32, #tpu.memory_space<vmem>>) target(%dma_start3A_877 : memref<128x128xf32, #tpu.memory_space<hbm>>) target_semaphore(%dma_start3A_875 : memref<!tpu.dma_semaphore, #tpu.memory_space<semaphore_mem>>)
      %dma_wait3A_882 = arith.constant 4 : i32
      %dma_wait3A_883 = arith.constant 4 : i32
      %dma_wait3A_884 = arith.constant 0 : i32
      %dma_wait3A_885 = arith.constant 0 : i32
      %dma_wait3A_886 = tpu.memref_slice %arg10[%dma_wait3A_882, %dma_wait3A_884, %dma_wait3A_885] : memref<5x128x128xf32, #tpu.memory_space<vmem>> -> memref<1x128x128xf32, #tpu.memory_space<vmem>>
      %dma_wait3A_887 = tpu.memref_squeeze %dma_wait3A_886 : memref<1x128x128xf32, #tpu.memory_space<vmem>> -> memref<128x128xf32, #tpu.memory_space<vmem>>
      %dma_wait3A_888 = arith.constant 0 : i32
      %dma_wait3A_889 = tpu.memref_slice %arg6[%mul3A_8, %dma_wait3A_888] : memref<327680x128xf32, #tpu.memory_space<hbm>> -> memref<128x128xf32, #tpu.memory_space<hbm>>
      %dma_wait3A_890 = tpu.memref_slice %arg14[%dma_wait3A_883] : memref<5x!tpu.dma_semaphore, #tpu.memory_space<semaphore_mem>> -> memref<1x!tpu.dma_semaphore, #tpu.memory_space<semaphore_mem>>
      %dma_wait3A_891 = tpu.memref_squeeze %dma_wait3A_890 : memref<1x!tpu.dma_semaphore, #tpu.memory_space<semaphore_mem>> -> memref<!tpu.dma_semaphore, #tpu.memory_space<semaphore_mem>>
      %dma_wait3A_892 = arith.constant 0 : i32
      %dma_wait3A_893 = tpu.memref_slice %arg6[%mul3A_8, %dma_wait3A_892] : memref<327680x128xf32, #tpu.memory_space<hbm>> -> memref<128x128xf32, #tpu.memory_space<hbm>>
      %dma_wait3A_894 = arith.constant 0 : i32
      %dma_wait3A_895 = arith.constant 0 : i32
      %dma_wait3A_896 = tpu.memref_slice %arg10[%dma_wait3A_882, %dma_wait3A_894, %dma_wait3A_895] : memref<5x128x128xf32, #tpu.memory_space<vmem>> -> memref<1x128x128xf32, #tpu.memory_space<vmem>>
      %dma_wait3A_897 = tpu.memref_squeeze %dma_wait3A_896 : memref<1x128x128xf32, #tpu.memory_space<vmem>> -> memref<128x128xf32, #tpu.memory_space<vmem>>
      tpu.wait_dma2 semaphore(%dma_wait3A_891 : memref<!tpu.dma_semaphore, #tpu.memory_space<semaphore_mem>>) src(%dma_wait3A_897 : memref<128x128xf32, #tpu.memory_space<vmem>>) dst(%dma_wait3A_893 : memref<128x128xf32, #tpu.memory_space<hbm>>)
      %add3A_898 = arith.constant 4 : i32
      %add3A_899 = arith.addi %mul3A_575, %add3A_898 : i32
      %add3A_900 = arith.constant 5 : i32
      %add3A_901 = arith.addi %add3A_899, %add3A_900 : i32
      %mul3A_902 = arith.constant 128 : i32
      %mul3A_903 = arith.muli %add3A_901, %mul3A_902 : i32
      %dma_start3A_904 = arith.constant 4 : i32
      %dma_start3A_905 = arith.constant 4 : i32
      %dma_start3A_906 = arith.constant 0 : i32
      %dma_start3A_907 = arith.constant 0 : i32
      %dma_start3A_908 = tpu.memref_slice %arg10[%dma_start3A_904, %dma_start3A_906, %dma_start3A_907] : memref<5x128x128xf32, #tpu.memory_space<vmem>> -> memref<1x128x128xf32, #tpu.memory_space<vmem>>
      %dma_start3A_909 = tpu.memref_squeeze %dma_start3A_908 : memref<1x128x128xf32, #tpu.memory_space<vmem>> -> memref<128x128xf32, #tpu.memory_space<vmem>>
      %dma_start3A_910 = tpu.memref_slice %arg8[%mul3A_903] : memref<10240xi32, #tpu.memory_space<vmem>> -> memref<128xi32, #tpu.memory_space<vmem>>
      %dma_start3A_911 = arith.constant 0 : i32
      %dma_start3A_912 = arith.constant 0 : i32
      %dma_start3A_913 = tpu.memref_slice %arg4[%dma_start3A_911, %dma_start3A_912] : memref<100000x128xf32, #tpu.memory_space<hbm>> -> memref<100000x128xf32, #tpu.memory_space<hbm>>
      %dma_start3A_914 = tpu.memref_slice %arg13[%dma_start3A_905] : memref<5x!tpu.dma_semaphore, #tpu.memory_space<semaphore_mem>> -> memref<1x!tpu.dma_semaphore, #tpu.memory_space<semaphore_mem>>
      %dma_start3A_915 = tpu.memref_squeeze %dma_start3A_914 : memref<1x!tpu.dma_semaphore, #tpu.memory_space<semaphore_mem>> -> memref<!tpu.dma_semaphore, #tpu.memory_space<semaphore_mem>>
      tpu.enqueue_indirect_dma source(%dma_start3A_913 : memref<100000x128xf32, #tpu.memory_space<hbm>>) target(%dma_start3A_909 : memref<128x128xf32, #tpu.memory_space<vmem>>) offsets(%dma_start3A_910 : memref<128xi32, #tpu.memory_space<vmem>>) semaphore(%dma_start3A_915 : memref<!tpu.dma_semaphore, #tpu.memory_space<semaphore_mem>>)
    }
    %scan3A_337 = arith.constant 15 : i32
    %dma_wait3A_338 = arith.constant 0 : i32
    %dma_wait3A_339 = arith.constant 0 : i32
    %dma_wait3A_340 = arith.constant 0 : i32
    %dma_wait3A_341 = arith.constant 0 : i32
    %dma_wait3A_342 = tpu.memref_slice %arg10[%dma_wait3A_338, %dma_wait3A_340, %dma_wait3A_341] : memref<5x128x128xf32, #tpu.memory_space<vmem>> -> memref<1x128x128xf32, #tpu.memory_space<vmem>>
    %dma_wait3A_343 = tpu.memref_squeeze %dma_wait3A_342 : memref<1x128x128xf32, #tpu.memory_space<vmem>> -> memref<128x128xf32, #tpu.memory_space<vmem>>
    %dma_wait3A_344 = arith.constant 0 : i32
    %dma_wait3A_345 = tpu.memref_slice %arg8[%dma_wait3A_344] : memref<10240xi32, #tpu.memory_space<vmem>> -> memref<128xi32, #tpu.memory_space<vmem>>
    %dma_wait3A_346 = arith.constant 0 : i32
    %dma_wait3A_347 = arith.constant 0 : i32
    %dma_wait3A_348 = tpu.memref_slice %arg4[%dma_wait3A_346, %dma_wait3A_347] : memref<100000x128xf32, #tpu.memory_space<hbm>> -> memref<100000x128xf32, #tpu.memory_space<hbm>>
    %dma_wait3A_349 = tpu.memref_slice %arg13[%dma_wait3A_339] : memref<5x!tpu.dma_semaphore, #tpu.memory_space<semaphore_mem>> -> memref<1x!tpu.dma_semaphore, #tpu.memory_space<semaphore_mem>>
    %dma_wait3A_350 = tpu.memref_squeeze %dma_wait3A_349 : memref<1x!tpu.dma_semaphore, #tpu.memory_space<semaphore_mem>> -> memref<!tpu.dma_semaphore, #tpu.memory_space<semaphore_mem>>
    tpu.wait_indirect_dma semaphore(%dma_wait3A_350 : memref<!tpu.dma_semaphore, #tpu.memory_space<semaphore_mem>>) src(%dma_wait3A_348 : memref<100000x128xf32, #tpu.memory_space<hbm>>) dst(%dma_wait3A_343 : memref<128x128xf32, #tpu.memory_space<vmem>>)
    %add3A_351 = arith.constant 9600 : i32
    %add3A_352 = arith.addi %mul3A_8, %add3A_351 : i32
    %dma_start3A_353 = arith.constant 0 : i32
    %dma_start3A_354 = arith.constant 0 : i32
    %dma_start3A_355 = arith.constant 0 : i32
    %dma_start3A_356 = arith.constant 0 : i32
    %dma_start3A_357 = tpu.memref_slice %arg10[%dma_start3A_353, %dma_start3A_355, %dma_start3A_356] : memref<5x128x128xf32, #tpu.memory_space<vmem>> -> memref<1x128x128xf32, #tpu.memory_space<vmem>>
    %dma_start3A_358 = tpu.memref_squeeze %dma_start3A_357 : memref<1x128x128xf32, #tpu.memory_space<vmem>> -> memref<128x128xf32, #tpu.memory_space<vmem>>
    %dma_start3A_359 = arith.constant 0 : i32
    %dma_start3A_360 = tpu.memref_slice %arg6[%add3A_352, %dma_start3A_359] : memref<327680x128xf32, #tpu.memory_space<hbm>> -> memref<128x128xf32, #tpu.memory_space<hbm>>
    %dma_start3A_361 = tpu.memref_slice %arg14[%dma_start3A_354] : memref<5x!tpu.dma_semaphore, #tpu.memory_space<semaphore_mem>> -> memref<1x!tpu.dma_semaphore, #tpu.memory_space<semaphore_mem>>
    %dma_start3A_362 = tpu.memref_squeeze %dma_start3A_361 : memref<1x!tpu.dma_semaphore, #tpu.memory_space<semaphore_mem>> -> memref<!tpu.dma_semaphore, #tpu.memory_space<semaphore_mem>>
    %dma_start3A_363 = arith.constant 0 : i32
    %dma_start3A_364 = tpu.memref_slice %arg6[%add3A_352, %dma_start3A_363] : memref<327680x128xf32, #tpu.memory_space<hbm>> -> memref<128x128xf32, #tpu.memory_space<hbm>>
    %dma_start3A_365 = arith.constant 0 : i32
    %dma_start3A_366 = arith.constant 0 : i32
    %dma_start3A_367 = tpu.memref_slice %arg10[%dma_start3A_353, %dma_start3A_365, %dma_start3A_366] : memref<5x128x128xf32, #tpu.memory_space<vmem>> -> memref<1x128x128xf32, #tpu.memory_space<vmem>>
    %dma_start3A_368 = tpu.memref_squeeze %dma_start3A_367 : memref<1x128x128xf32, #tpu.memory_space<vmem>> -> memref<128x128xf32, #tpu.memory_space<vmem>>
    tpu.enqueue_dma source(%dma_start3A_368 : memref<128x128xf32, #tpu.memory_space<vmem>>) target(%dma_start3A_364 : memref<128x128xf32, #tpu.memory_space<hbm>>) target_semaphore(%dma_start3A_362 : memref<!tpu.dma_semaphore, #tpu.memory_space<semaphore_mem>>)
    %dma_wait3A_369 = arith.constant 1 : i32
    %dma_wait3A_370 = arith.constant 1 : i32
    %dma_wait3A_371 = arith.constant 0 : i32
    %dma_wait3A_372 = arith.constant 0 : i32
    %dma_wait3A_373 = tpu.memref_slice %arg10[%dma_wait3A_369, %dma_wait3A_371, %dma_wait3A_372] : memref<5x128x128xf32, #tpu.memory_space<vmem>> -> memref<1x128x128xf32, #tpu.memory_space<vmem>>
    %dma_wait3A_374 = tpu.memref_squeeze %dma_wait3A_373 : memref<1x128x128xf32, #tpu.memory_space<vmem>> -> memref<128x128xf32, #tpu.memory_space<vmem>>
    %dma_wait3A_375 = arith.constant 0 : i32
    %dma_wait3A_376 = tpu.memref_slice %arg8[%dma_wait3A_375] : memref<10240xi32, #tpu.memory_space<vmem>> -> memref<128xi32, #tpu.memory_space<vmem>>
    %dma_wait3A_377 = arith.constant 0 : i32
    %dma_wait3A_378 = arith.constant 0 : i32
    %dma_wait3A_379 = tpu.memref_slice %arg4[%dma_wait3A_377, %dma_wait3A_378] : memref<100000x128xf32, #tpu.memory_space<hbm>> -> memref<100000x128xf32, #tpu.memory_space<hbm>>
    %dma_wait3A_380 = tpu.memref_slice %arg13[%dma_wait3A_370] : memref<5x!tpu.dma_semaphore, #tpu.memory_space<semaphore_mem>> -> memref<1x!tpu.dma_semaphore, #tpu.memory_space<semaphore_mem>>
    %dma_wait3A_381 = tpu.memref_squeeze %dma_wait3A_380 : memref<1x!tpu.dma_semaphore, #tpu.memory_space<semaphore_mem>> -> memref<!tpu.dma_semaphore, #tpu.memory_space<semaphore_mem>>
    tpu.wait_indirect_dma semaphore(%dma_wait3A_381 : memref<!tpu.dma_semaphore, #tpu.memory_space<semaphore_mem>>) src(%dma_wait3A_379 : memref<100000x128xf32, #tpu.memory_space<hbm>>) dst(%dma_wait3A_374 : memref<128x128xf32, #tpu.memory_space<vmem>>)
    %add3A_382 = arith.constant 9728 : i32
    %add3A_383 = arith.addi %mul3A_8, %add3A_382 : i32
    %dma_start3A_384 = arith.constant 1 : i32
    %dma_start3A_385 = arith.constant 1 : i32
    %dma_start3A_386 = arith.constant 0 : i32
    %dma_start3A_387 = arith.constant 0 : i32
    %dma_start3A_388 = tpu.memref_slice %arg10[%dma_start3A_384, %dma_start3A_386, %dma_start3A_387] : memref<5x128x128xf32, #tpu.memory_space<vmem>> -> memref<1x128x128xf32, #tpu.memory_space<vmem>>
    %dma_start3A_389 = tpu.memref_squeeze %dma_start3A_388 : memref<1x128x128xf32, #tpu.memory_space<vmem>> -> memref<128x128xf32, #tpu.memory_space<vmem>>
    %dma_start3A_390 = arith.constant 0 : i32
    %dma_start3A_391 = tpu.memref_slice %arg6[%add3A_383, %dma_start3A_390] : memref<327680x128xf32, #tpu.memory_space<hbm>> -> memref<128x128xf32, #tpu.memory_space<hbm>>
    %dma_start3A_392 = tpu.memref_slice %arg14[%dma_start3A_385] : memref<5x!tpu.dma_semaphore, #tpu.memory_space<semaphore_mem>> -> memref<1x!tpu.dma_semaphore, #tpu.memory_space<semaphore_mem>>
    %dma_start3A_393 = tpu.memref_squeeze %dma_start3A_392 : memref<1x!tpu.dma_semaphore, #tpu.memory_space<semaphore_mem>> -> memref<!tpu.dma_semaphore, #tpu.memory_space<semaphore_mem>>
    %dma_start3A_394 = arith.constant 0 : i32
    %dma_start3A_395 = tpu.memref_slice %arg6[%add3A_383, %dma_start3A_394] : memref<327680x128xf32, #tpu.memory_space<hbm>> -> memref<128x128xf32, #tpu.memory_space<hbm>>
    %dma_start3A_396 = arith.constant 0 : i32
    %dma_start3A_397 = arith.constant 0 : i32
    %dma_start3A_398 = tpu.memref_slice %arg10[%dma_start3A_384, %dma_start3A_396, %dma_start3A_397] : memref<5x128x128xf32, #tpu.memory_space<vmem>> -> memref<1x128x128xf32, #tpu.memory_space<vmem>>
    %dma_start3A_399 = tpu.memref_squeeze %dma_start3A_398 : memref<1x128x128xf32, #tpu.memory_space<vmem>> -> memref<128x128xf32, #tpu.memory_space<vmem>>
    tpu.enqueue_dma source(%dma_start3A_399 : memref<128x128xf32, #tpu.memory_space<vmem>>) target(%dma_start3A_395 : memref<128x128xf32, #tpu.memory_space<hbm>>) target_semaphore(%dma_start3A_393 : memref<!tpu.dma_semaphore, #tpu.memory_space<semaphore_mem>>)
    %dma_wait3A_400 = arith.constant 2 : i32
    %dma_wait3A_401 = arith.constant 2 : i32
    %dma_wait3A_402 = arith.constant 0 : i32
    %dma_wait3A_403 = arith.constant 0 : i32
    %dma_wait3A_404 = tpu.memref_slice %arg10[%dma_wait3A_400, %dma_wait3A_402, %dma_wait3A_403] : memref<5x128x128xf32, #tpu.memory_space<vmem>> -> memref<1x128x128xf32, #tpu.memory_space<vmem>>
    %dma_wait3A_405 = tpu.memref_squeeze %dma_wait3A_404 : memref<1x128x128xf32, #tpu.memory_space<vmem>> -> memref<128x128xf32, #tpu.memory_space<vmem>>
    %dma_wait3A_406 = arith.constant 0 : i32
    %dma_wait3A_407 = tpu.memref_slice %arg8[%dma_wait3A_406] : memref<10240xi32, #tpu.memory_space<vmem>> -> memref<128xi32, #tpu.memory_space<vmem>>
    %dma_wait3A_408 = arith.constant 0 : i32
    %dma_wait3A_409 = arith.constant 0 : i32
    %dma_wait3A_410 = tpu.memref_slice %arg4[%dma_wait3A_408, %dma_wait3A_409] : memref<100000x128xf32, #tpu.memory_space<hbm>> -> memref<100000x128xf32, #tpu.memory_space<hbm>>
    %dma_wait3A_411 = tpu.memref_slice %arg13[%dma_wait3A_401] : memref<5x!tpu.dma_semaphore, #tpu.memory_space<semaphore_mem>> -> memref<1x!tpu.dma_semaphore, #tpu.memory_space<semaphore_mem>>
    %dma_wait3A_412 = tpu.memref_squeeze %dma_wait3A_411 : memref<1x!tpu.dma_semaphore, #tpu.memory_space<semaphore_mem>> -> memref<!tpu.dma_semaphore, #tpu.memory_space<semaphore_mem>>
    tpu.wait_indirect_dma semaphore(%dma_wait3A_412 : memref<!tpu.dma_semaphore, #tpu.memory_space<semaphore_mem>>) src(%dma_wait3A_410 : memref<100000x128xf32, #tpu.memory_space<hbm>>) dst(%dma_wait3A_405 : memref<128x128xf32, #tpu.memory_space<vmem>>)
    %add3A_413 = arith.constant 9856 : i32
    %add3A_414 = arith.addi %mul3A_8, %add3A_413 : i32
    %dma_start3A_415 = arith.constant 2 : i32
    %dma_start3A_416 = arith.constant 2 : i32
    %dma_start3A_417 = arith.constant 0 : i32
    %dma_start3A_418 = arith.constant 0 : i32
    %dma_start3A_419 = tpu.memref_slice %arg10[%dma_start3A_415, %dma_start3A_417, %dma_start3A_418] : memref<5x128x128xf32, #tpu.memory_space<vmem>> -> memref<1x128x128xf32, #tpu.memory_space<vmem>>
    %dma_start3A_420 = tpu.memref_squeeze %dma_start3A_419 : memref<1x128x128xf32, #tpu.memory_space<vmem>> -> memref<128x128xf32, #tpu.memory_space<vmem>>
    %dma_start3A_421 = arith.constant 0 : i32
    %dma_start3A_422 = tpu.memref_slice %arg6[%add3A_414, %dma_start3A_421] : memref<327680x128xf32, #tpu.memory_space<hbm>> -> memref<128x128xf32, #tpu.memory_space<hbm>>
    %dma_start3A_423 = tpu.memref_slice %arg14[%dma_start3A_416] : memref<5x!tpu.dma_semaphore, #tpu.memory_space<semaphore_mem>> -> memref<1x!tpu.dma_semaphore, #tpu.memory_space<semaphore_mem>>
    %dma_start3A_424 = tpu.memref_squeeze %dma_start3A_423 : memref<1x!tpu.dma_semaphore, #tpu.memory_space<semaphore_mem>> -> memref<!tpu.dma_semaphore, #tpu.memory_space<semaphore_mem>>
    %dma_start3A_425 = arith.constant 0 : i32
    %dma_start3A_426 = tpu.memref_slice %arg6[%add3A_414, %dma_start3A_425] : memref<327680x128xf32, #tpu.memory_space<hbm>> -> memref<128x128xf32, #tpu.memory_space<hbm>>
    %dma_start3A_427 = arith.constant 0 : i32
    %dma_start3A_428 = arith.constant 0 : i32
    %dma_start3A_429 = tpu.memref_slice %arg10[%dma_start3A_415, %dma_start3A_427, %dma_start3A_428] : memref<5x128x128xf32, #tpu.memory_space<vmem>> -> memref<1x128x128xf32, #tpu.memory_space<vmem>>
    %dma_start3A_430 = tpu.memref_squeeze %dma_start3A_429 : memref<1x128x128xf32, #tpu.memory_space<vmem>> -> memref<128x128xf32, #tpu.memory_space<vmem>>
    tpu.enqueue_dma source(%dma_start3A_430 : memref<128x128xf32, #tpu.memory_space<vmem>>) target(%dma_start3A_426 : memref<128x128xf32, #tpu.memory_space<hbm>>) target_semaphore(%dma_start3A_424 : memref<!tpu.dma_semaphore, #tpu.memory_space<semaphore_mem>>)
    %dma_wait3A_431 = arith.constant 3 : i32
    %dma_wait3A_432 = arith.constant 3 : i32
    %dma_wait3A_433 = arith.constant 0 : i32
    %dma_wait3A_434 = arith.constant 0 : i32
    %dma_wait3A_435 = tpu.memref_slice %arg10[%dma_wait3A_431, %dma_wait3A_433, %dma_wait3A_434] : memref<5x128x128xf32, #tpu.memory_space<vmem>> -> memref<1x128x128xf32, #tpu.memory_space<vmem>>
    %dma_wait3A_436 = tpu.memref_squeeze %dma_wait3A_435 : memref<1x128x128xf32, #tpu.memory_space<vmem>> -> memref<128x128xf32, #tpu.memory_space<vmem>>
    %dma_wait3A_437 = arith.constant 0 : i32
    %dma_wait3A_438 = tpu.memref_slice %arg8[%dma_wait3A_437] : memref<10240xi32, #tpu.memory_space<vmem>> -> memref<128xi32, #tpu.memory_space<vmem>>
    %dma_wait3A_439 = arith.constant 0 : i32
    %dma_wait3A_440 = arith.constant 0 : i32
    %dma_wait3A_441 = tpu.memref_slice %arg4[%dma_wait3A_439, %dma_wait3A_440] : memref<100000x128xf32, #tpu.memory_space<hbm>> -> memref<100000x128xf32, #tpu.memory_space<hbm>>
    %dma_wait3A_442 = tpu.memref_slice %arg13[%dma_wait3A_432] : memref<5x!tpu.dma_semaphore, #tpu.memory_space<semaphore_mem>> -> memref<1x!tpu.dma_semaphore, #tpu.memory_space<semaphore_mem>>
    %dma_wait3A_443 = tpu.memref_squeeze %dma_wait3A_442 : memref<1x!tpu.dma_semaphore, #tpu.memory_space<semaphore_mem>> -> memref<!tpu.dma_semaphore, #tpu.memory_space<semaphore_mem>>
    tpu.wait_indirect_dma semaphore(%dma_wait3A_443 : memref<!tpu.dma_semaphore, #tpu.memory_space<semaphore_mem>>) src(%dma_wait3A_441 : memref<100000x128xf32, #tpu.memory_space<hbm>>) dst(%dma_wait3A_436 : memref<128x128xf32, #tpu.memory_space<vmem>>)
    %add3A_444 = arith.constant 9984 : i32
    %add3A_445 = arith.addi %mul3A_8, %add3A_444 : i32
    %dma_start3A_446 = arith.constant 3 : i32
    %dma_start3A_447 = arith.constant 3 : i32
    %dma_start3A_448 = arith.constant 0 : i32
    %dma_start3A_449 = arith.constant 0 : i32
    %dma_start3A_450 = tpu.memref_slice %arg10[%dma_start3A_446, %dma_start3A_448, %dma_start3A_449] : memref<5x128x128xf32, #tpu.memory_space<vmem>> -> memref<1x128x128xf32, #tpu.memory_space<vmem>>
    %dma_start3A_451 = tpu.memref_squeeze %dma_start3A_450 : memref<1x128x128xf32, #tpu.memory_space<vmem>> -> memref<128x128xf32, #tpu.memory_space<vmem>>
    %dma_start3A_452 = arith.constant 0 : i32
    %dma_start3A_453 = tpu.memref_slice %arg6[%add3A_445, %dma_start3A_452] : memref<327680x128xf32, #tpu.memory_space<hbm>> -> memref<128x128xf32, #tpu.memory_space<hbm>>
    %dma_start3A_454 = tpu.memref_slice %arg14[%dma_start3A_447] : memref<5x!tpu.dma_semaphore, #tpu.memory_space<semaphore_mem>> -> memref<1x!tpu.dma_semaphore, #tpu.memory_space<semaphore_mem>>
    %dma_start3A_455 = tpu.memref_squeeze %dma_start3A_454 : memref<1x!tpu.dma_semaphore, #tpu.memory_space<semaphore_mem>> -> memref<!tpu.dma_semaphore, #tpu.memory_space<semaphore_mem>>
    %dma_start3A_456 = arith.constant 0 : i32
    %dma_start3A_457 = tpu.memref_slice %arg6[%add3A_445, %dma_start3A_456] : memref<327680x128xf32, #tpu.memory_space<hbm>> -> memref<128x128xf32, #tpu.memory_space<hbm>>
    %dma_start3A_458 = arith.constant 0 : i32
    %dma_start3A_459 = arith.constant 0 : i32
    %dma_start3A_460 = tpu.memref_slice %arg10[%dma_start3A_446, %dma_start3A_458, %dma_start3A_459] : memref<5x128x128xf32, #tpu.memory_space<vmem>> -> memref<1x128x128xf32, #tpu.memory_space<vmem>>
    %dma_start3A_461 = tpu.memref_squeeze %dma_start3A_460 : memref<1x128x128xf32, #tpu.memory_space<vmem>> -> memref<128x128xf32, #tpu.memory_space<vmem>>
    tpu.enqueue_dma source(%dma_start3A_461 : memref<128x128xf32, #tpu.memory_space<vmem>>) target(%dma_start3A_457 : memref<128x128xf32, #tpu.memory_space<hbm>>) target_semaphore(%dma_start3A_455 : memref<!tpu.dma_semaphore, #tpu.memory_space<semaphore_mem>>)
    %dma_wait3A_462 = arith.constant 4 : i32
    %dma_wait3A_463 = arith.constant 4 : i32
    %dma_wait3A_464 = arith.constant 0 : i32
    %dma_wait3A_465 = arith.constant 0 : i32
    %dma_wait3A_466 = tpu.memref_slice %arg10[%dma_wait3A_462, %dma_wait3A_464, %dma_wait3A_465] : memref<5x128x128xf32, #tpu.memory_space<vmem>> -> memref<1x128x128xf32, #tpu.memory_space<vmem>>
    %dma_wait3A_467 = tpu.memref_squeeze %dma_wait3A_466 : memref<1x128x128xf32, #tpu.memory_space<vmem>> -> memref<128x128xf32, #tpu.memory_space<vmem>>
    %dma_wait3A_468 = arith.constant 0 : i32
    %dma_wait3A_469 = tpu.memref_slice %arg8[%dma_wait3A_468] : memref<10240xi32, #tpu.memory_space<vmem>> -> memref<128xi32, #tpu.memory_space<vmem>>
    %dma_wait3A_470 = arith.constant 0 : i32
    %dma_wait3A_471 = arith.constant 0 : i32
    %dma_wait3A_472 = tpu.memref_slice %arg4[%dma_wait3A_470, %dma_wait3A_471] : memref<100000x128xf32, #tpu.memory_space<hbm>> -> memref<100000x128xf32, #tpu.memory_space<hbm>>
    %dma_wait3A_473 = tpu.memref_slice %arg13[%dma_wait3A_463] : memref<5x!tpu.dma_semaphore, #tpu.memory_space<semaphore_mem>> -> memref<1x!tpu.dma_semaphore, #tpu.memory_space<semaphore_mem>>
    %dma_wait3A_474 = tpu.memref_squeeze %dma_wait3A_473 : memref<1x!tpu.dma_semaphore, #tpu.memory_space<semaphore_mem>> -> memref<!tpu.dma_semaphore, #tpu.memory_space<semaphore_mem>>
    tpu.wait_indirect_dma semaphore(%dma_wait3A_474 : memref<!tpu.dma_semaphore, #tpu.memory_space<semaphore_mem>>) src(%dma_wait3A_472 : memref<100000x128xf32, #tpu.memory_space<hbm>>) dst(%dma_wait3A_467 : memref<128x128xf32, #tpu.memory_space<vmem>>)
    %add3A_475 = arith.constant 10112 : i32
    %add3A_476 = arith.addi %mul3A_8, %add3A_475 : i32
    %dma_start3A_477 = arith.constant 4 : i32
    %dma_start3A_478 = arith.constant 4 : i32
    %dma_start3A_479 = arith.constant 0 : i32
    %dma_start3A_480 = arith.constant 0 : i32
    %dma_start3A_481 = tpu.memref_slice %arg10[%dma_start3A_477, %dma_start3A_479, %dma_start3A_480] : memref<5x128x128xf32, #tpu.memory_space<vmem>> -> memref<1x128x128xf32, #tpu.memory_space<vmem>>
    %dma_start3A_482 = tpu.memref_squeeze %dma_start3A_481 : memref<1x128x128xf32, #tpu.memory_space<vmem>> -> memref<128x128xf32, #tpu.memory_space<vmem>>
    %dma_start3A_483 = arith.constant 0 : i32
    %dma_start3A_484 = tpu.memref_slice %arg6[%add3A_476, %dma_start3A_483] : memref<327680x128xf32, #tpu.memory_space<hbm>> -> memref<128x128xf32, #tpu.memory_space<hbm>>
    %dma_start3A_485 = tpu.memref_slice %arg14[%dma_start3A_478] : memref<5x!tpu.dma_semaphore, #tpu.memory_space<semaphore_mem>> -> memref<1x!tpu.dma_semaphore, #tpu.memory_space<semaphore_mem>>
    %dma_start3A_486 = tpu.memref_squeeze %dma_start3A_485 : memref<1x!tpu.dma_semaphore, #tpu.memory_space<semaphore_mem>> -> memref<!tpu.dma_semaphore, #tpu.memory_space<semaphore_mem>>
    %dma_start3A_487 = arith.constant 0 : i32
    %dma_start3A_488 = tpu.memref_slice %arg6[%add3A_476, %dma_start3A_487] : memref<327680x128xf32, #tpu.memory_space<hbm>> -> memref<128x128xf32, #tpu.memory_space<hbm>>
    %dma_start3A_489 = arith.constant 0 : i32
    %dma_start3A_490 = arith.constant 0 : i32
    %dma_start3A_491 = tpu.memref_slice %arg10[%dma_start3A_477, %dma_start3A_489, %dma_start3A_490] : memref<5x128x128xf32, #tpu.memory_space<vmem>> -> memref<1x128x128xf32, #tpu.memory_space<vmem>>
    %dma_start3A_492 = tpu.memref_squeeze %dma_start3A_491 : memref<1x128x128xf32, #tpu.memory_space<vmem>> -> memref<128x128xf32, #tpu.memory_space<vmem>>
    tpu.enqueue_dma source(%dma_start3A_492 : memref<128x128xf32, #tpu.memory_space<vmem>>) target(%dma_start3A_488 : memref<128x128xf32, #tpu.memory_space<hbm>>) target_semaphore(%dma_start3A_486 : memref<!tpu.dma_semaphore, #tpu.memory_space<semaphore_mem>>)
    %dma_wait3A_493 = arith.constant 0 : i32
    %dma_wait3A_494 = arith.constant 0 : i32
    %dma_wait3A_495 = arith.constant 0 : i32
    %dma_wait3A_496 = arith.constant 0 : i32
    %dma_wait3A_497 = tpu.memref_slice %arg10[%dma_wait3A_493, %dma_wait3A_495, %dma_wait3A_496] : memref<5x128x128xf32, #tpu.memory_space<vmem>> -> memref<1x128x128xf32, #tpu.memory_space<vmem>>
    %dma_wait3A_498 = tpu.memref_squeeze %dma_wait3A_497 : memref<1x128x128xf32, #tpu.memory_space<vmem>> -> memref<128x128xf32, #tpu.memory_space<vmem>>
    %dma_wait3A_499 = arith.constant 0 : i32
    %dma_wait3A_500 = tpu.memref_slice %arg6[%mul3A_8, %dma_wait3A_499] : memref<327680x128xf32, #tpu.memory_space<hbm>> -> memref<128x128xf32, #tpu.memory_space<hbm>>
    %dma_wait3A_501 = tpu.memref_slice %arg14[%dma_wait3A_494] : memref<5x!tpu.dma_semaphore, #tpu.memory_space<semaphore_mem>> -> memref<1x!tpu.dma_semaphore, #tpu.memory_space<semaphore_mem>>
    %dma_wait3A_502 = tpu.memref_squeeze %dma_wait3A_501 : memref<1x!tpu.dma_semaphore, #tpu.memory_space<semaphore_mem>> -> memref<!tpu.dma_semaphore, #tpu.memory_space<semaphore_mem>>
    %dma_wait3A_503 = arith.constant 0 : i32
    %dma_wait3A_504 = tpu.memref_slice %arg6[%mul3A_8, %dma_wait3A_503] : memref<327680x128xf32, #tpu.memory_space<hbm>> -> memref<128x128xf32, #tpu.memory_space<hbm>>
    %dma_wait3A_505 = arith.constant 0 : i32
    %dma_wait3A_506 = arith.constant 0 : i32
    %dma_wait3A_507 = tpu.memref_slice %arg10[%dma_wait3A_493, %dma_wait3A_505, %dma_wait3A_506] : memref<5x128x128xf32, #tpu.memory_space<vmem>> -> memref<1x128x128xf32, #tpu.memory_space<vmem>>
    %dma_wait3A_508 = tpu.memref_squeeze %dma_wait3A_507 : memref<1x128x128xf32, #tpu.memory_space<vmem>> -> memref<128x128xf32, #tpu.memory_space<vmem>>
    tpu.wait_dma2 semaphore(%dma_wait3A_502 : memref<!tpu.dma_semaphore, #tpu.memory_space<semaphore_mem>>) src(%dma_wait3A_508 : memref<128x128xf32, #tpu.memory_space<vmem>>) dst(%dma_wait3A_504 : memref<128x128xf32, #tpu.memory_space<hbm>>)
    %dma_wait3A_509 = arith.constant 1 : i32
    %dma_wait3A_510 = arith.constant 1 : i32
    %dma_wait3A_511 = arith.constant 0 : i32
    %dma_wait3A_512 = arith.constant 0 : i32
    %dma_wait3A_513 = tpu.memref_slice %arg10[%dma_wait3A_509, %dma_wait3A_511, %dma_wait3A_512] : memref<5x128x128xf32, #tpu.memory_space<vmem>> -> memref<1x128x128xf32, #tpu.memory_space<vmem>>
    %dma_wait3A_514 = tpu.memref_squeeze %dma_wait3A_513 : memref<1x128x128xf32, #tpu.memory_space<vmem>> -> memref<128x128xf32, #tpu.memory_space<vmem>>
    %dma_wait3A_515 = arith.constant 0 : i32
    %dma_wait3A_516 = tpu.memref_slice %arg6[%mul3A_8, %dma_wait3A_515] : memref<327680x128xf32, #tpu.memory_space<hbm>> -> memref<128x128xf32, #tpu.memory_space<hbm>>
    %dma_wait3A_517 = tpu.memref_slice %arg14[%dma_wait3A_510] : memref<5x!tpu.dma_semaphore, #tpu.memory_space<semaphore_mem>> -> memref<1x!tpu.dma_semaphore, #tpu.memory_space<semaphore_mem>>
    %dma_wait3A_518 = tpu.memref_squeeze %dma_wait3A_517 : memref<1x!tpu.dma_semaphore, #tpu.memory_space<semaphore_mem>> -> memref<!tpu.dma_semaphore, #tpu.memory_space<semaphore_mem>>
    %dma_wait3A_519 = arith.constant 0 : i32
    %dma_wait3A_520 = tpu.memref_slice %arg6[%mul3A_8, %dma_wait3A_519] : memref<327680x128xf32, #tpu.memory_space<hbm>> -> memref<128x128xf32, #tpu.memory_space<hbm>>
    %dma_wait3A_521 = arith.constant 0 : i32
    %dma_wait3A_522 = arith.constant 0 : i32
    %dma_wait3A_523 = tpu.memref_slice %arg10[%dma_wait3A_509, %dma_wait3A_521, %dma_wait3A_522] : memref<5x128x128xf32, #tpu.memory_space<vmem>> -> memref<1x128x128xf32, #tpu.memory_space<vmem>>
    %dma_wait3A_524 = tpu.memref_squeeze %dma_wait3A_523 : memref<1x128x128xf32, #tpu.memory_space<vmem>> -> memref<128x128xf32, #tpu.memory_space<vmem>>
    tpu.wait_dma2 semaphore(%dma_wait3A_518 : memref<!tpu.dma_semaphore, #tpu.memory_space<semaphore_mem>>) src(%dma_wait3A_524 : memref<128x128xf32, #tpu.memory_space<vmem>>) dst(%dma_wait3A_520 : memref<128x128xf32, #tpu.memory_space<hbm>>)
    %dma_wait3A_525 = arith.constant 2 : i32
    %dma_wait3A_526 = arith.constant 2 : i32
    %dma_wait3A_527 = arith.constant 0 : i32
    %dma_wait3A_528 = arith.constant 0 : i32
    %dma_wait3A_529 = tpu.memref_slice %arg10[%dma_wait3A_525, %dma_wait3A_527, %dma_wait3A_528] : memref<5x128x128xf32, #tpu.memory_space<vmem>> -> memref<1x128x128xf32, #tpu.memory_space<vmem>>
    %dma_wait3A_530 = tpu.memref_squeeze %dma_wait3A_529 : memref<1x128x128xf32, #tpu.memory_space<vmem>> -> memref<128x128xf32, #tpu.memory_space<vmem>>
    %dma_wait3A_531 = arith.constant 0 : i32
    %dma_wait3A_532 = tpu.memref_slice %arg6[%mul3A_8, %dma_wait3A_531] : memref<327680x128xf32, #tpu.memory_space<hbm>> -> memref<128x128xf32, #tpu.memory_space<hbm>>
    %dma_wait3A_533 = tpu.memref_slice %arg14[%dma_wait3A_526] : memref<5x!tpu.dma_semaphore, #tpu.memory_space<semaphore_mem>> -> memref<1x!tpu.dma_semaphore, #tpu.memory_space<semaphore_mem>>
    %dma_wait3A_534 = tpu.memref_squeeze %dma_wait3A_533 : memref<1x!tpu.dma_semaphore, #tpu.memory_space<semaphore_mem>> -> memref<!tpu.dma_semaphore, #tpu.memory_space<semaphore_mem>>
    %dma_wait3A_535 = arith.constant 0 : i32
    %dma_wait3A_536 = tpu.memref_slice %arg6[%mul3A_8, %dma_wait3A_535] : memref<327680x128xf32, #tpu.memory_space<hbm>> -> memref<128x128xf32, #tpu.memory_space<hbm>>
    %dma_wait3A_537 = arith.constant 0 : i32
    %dma_wait3A_538 = arith.constant 0 : i32
    %dma_wait3A_539 = tpu.memref_slice %arg10[%dma_wait3A_525, %dma_wait3A_537, %dma_wait3A_538] : memref<5x128x128xf32, #tpu.memory_space<vmem>> -> memref<1x128x128xf32, #tpu.memory_space<vmem>>
    %dma_wait3A_540 = tpu.memref_squeeze %dma_wait3A_539 : memref<1x128x128xf32, #tpu.memory_space<vmem>> -> memref<128x128xf32, #tpu.memory_space<vmem>>
    tpu.wait_dma2 semaphore(%dma_wait3A_534 : memref<!tpu.dma_semaphore, #tpu.memory_space<semaphore_mem>>) src(%dma_wait3A_540 : memref<128x128xf32, #tpu.memory_space<vmem>>) dst(%dma_wait3A_536 : memref<128x128xf32, #tpu.memory_space<hbm>>)
    %dma_wait3A_541 = arith.constant 3 : i32
    %dma_wait3A_542 = arith.constant 3 : i32
    %dma_wait3A_543 = arith.constant 0 : i32
    %dma_wait3A_544 = arith.constant 0 : i32
    %dma_wait3A_545 = tpu.memref_slice %arg10[%dma_wait3A_541, %dma_wait3A_543, %dma_wait3A_544] : memref<5x128x128xf32, #tpu.memory_space<vmem>> -> memref<1x128x128xf32, #tpu.memory_space<vmem>>
    %dma_wait3A_546 = tpu.memref_squeeze %dma_wait3A_545 : memref<1x128x128xf32, #tpu.memory_space<vmem>> -> memref<128x128xf32, #tpu.memory_space<vmem>>
    %dma_wait3A_547 = arith.constant 0 : i32
    %dma_wait3A_548 = tpu.memref_slice %arg6[%mul3A_8, %dma_wait3A_547] : memref<327680x128xf32, #tpu.memory_space<hbm>> -> memref<128x128xf32, #tpu.memory_space<hbm>>
    %dma_wait3A_549 = tpu.memref_slice %arg14[%dma_wait3A_542] : memref<5x!tpu.dma_semaphore, #tpu.memory_space<semaphore_mem>> -> memref<1x!tpu.dma_semaphore, #tpu.memory_space<semaphore_mem>>
    %dma_wait3A_550 = tpu.memref_squeeze %dma_wait3A_549 : memref<1x!tpu.dma_semaphore, #tpu.memory_space<semaphore_mem>> -> memref<!tpu.dma_semaphore, #tpu.memory_space<semaphore_mem>>
    %dma_wait3A_551 = arith.constant 0 : i32
    %dma_wait3A_552 = tpu.memref_slice %arg6[%mul3A_8, %dma_wait3A_551] : memref<327680x128xf32, #tpu.memory_space<hbm>> -> memref<128x128xf32, #tpu.memory_space<hbm>>
    %dma_wait3A_553 = arith.constant 0 : i32
    %dma_wait3A_554 = arith.constant 0 : i32
    %dma_wait3A_555 = tpu.memref_slice %arg10[%dma_wait3A_541, %dma_wait3A_553, %dma_wait3A_554] : memref<5x128x128xf32, #tpu.memory_space<vmem>> -> memref<1x128x128xf32, #tpu.memory_space<vmem>>
    %dma_wait3A_556 = tpu.memref_squeeze %dma_wait3A_555 : memref<1x128x128xf32, #tpu.memory_space<vmem>> -> memref<128x128xf32, #tpu.memory_space<vmem>>
    tpu.wait_dma2 semaphore(%dma_wait3A_550 : memref<!tpu.dma_semaphore, #tpu.memory_space<semaphore_mem>>) src(%dma_wait3A_556 : memref<128x128xf32, #tpu.memory_space<vmem>>) dst(%dma_wait3A_552 : memref<128x128xf32, #tpu.memory_space<hbm>>)
    %dma_wait3A_557 = arith.constant 4 : i32
    %dma_wait3A_558 = arith.constant 4 : i32
    %dma_wait3A_559 = arith.constant 0 : i32
    %dma_wait3A_560 = arith.constant 0 : i32
    %dma_wait3A_561 = tpu.memref_slice %arg10[%dma_wait3A_557, %dma_wait3A_559, %dma_wait3A_560] : memref<5x128x128xf32, #tpu.memory_space<vmem>> -> memref<1x128x128xf32, #tpu.memory_space<vmem>>
    %dma_wait3A_562 = tpu.memref_squeeze %dma_wait3A_561 : memref<1x128x128xf32, #tpu.memory_space<vmem>> -> memref<128x128xf32, #tpu.memory_space<vmem>>
    %dma_wait3A_563 = arith.constant 0 : i32
    %dma_wait3A_564 = tpu.memref_slice %arg6[%mul3A_8, %dma_wait3A_563] : memref<327680x128xf32, #tpu.memory_space<hbm>> -> memref<128x128xf32, #tpu.memory_space<hbm>>
    %dma_wait3A_565 = tpu.memref_slice %arg14[%dma_wait3A_558] : memref<5x!tpu.dma_semaphore, #tpu.memory_space<semaphore_mem>> -> memref<1x!tpu.dma_semaphore, #tpu.memory_space<semaphore_mem>>
    %dma_wait3A_566 = tpu.memref_squeeze %dma_wait3A_565 : memref<1x!tpu.dma_semaphore, #tpu.memory_space<semaphore_mem>> -> memref<!tpu.dma_semaphore, #tpu.memory_space<semaphore_mem>>
    %dma_wait3A_567 = arith.constant 0 : i32
    %dma_wait3A_568 = tpu.memref_slice %arg6[%mul3A_8, %dma_wait3A_567] : memref<327680x128xf32, #tpu.memory_space<hbm>> -> memref<128x128xf32, #tpu.memory_space<hbm>>
    %dma_wait3A_569 = arith.constant 0 : i32
    %dma_wait3A_570 = arith.constant 0 : i32
    %dma_wait3A_571 = tpu.memref_slice %arg10[%dma_wait3A_557, %dma_wait3A_569, %dma_wait3A_570] : memref<5x128x128xf32, #tpu.memory_space<vmem>> -> memref<1x128x128xf32, #tpu.memory_space<vmem>>
    %dma_wait3A_572 = tpu.memref_squeeze %dma_wait3A_571 : memref<1x128x128xf32, #tpu.memory_space<vmem>> -> memref<128x128xf32, #tpu.memory_space<vmem>>
    tpu.wait_dma2 semaphore(%dma_wait3A_566 : memref<!tpu.dma_semaphore, #tpu.memory_space<semaphore_mem>>) src(%dma_wait3A_572 : memref<128x128xf32, #tpu.memory_space<vmem>>) dst(%dma_wait3A_568 : memref<128x128xf32, #tpu.memory_space<hbm>>)
    return
  }
}

</mosaic_0001>

<sc_bundles>
// kernel: kernel.3.cloned.1.call-start
scs
__scs_entry_jumppad:
0x0: {  	(pc) =	sbr.rel $0x88, $3  }
0x1: {  	(tag) =	ssettag $0x0;
	lr =	simm.s32 $0x1  }
0x2: {  	[smem:$0x3F9E] =	sst lr;
	_ =	strace $0xD0000000  }
0x3: {  	_ = 	snop  }
0x4: {  	_ = 	snop  }
0x5: {  	_ = 	snop  }
0x6: {  	_ = 	snop  }
0x7: {  	_ = 	snop  }
__scs_overlays_trampoline_lowered:
0x8: {  	[smem:$0x3FAD] =	sst s0  }
0x9: {  	[smem:$0x3FAE] =	sst s1  }
0xa: {  	[smem:$0x3FAF] =	sst s2  }
0xb: {  	[smem:$0x3FB0] =	sst s3  }
0xc: {  	[smem:$0x3FB1] =	sst s4  }
0xd: {  	[smem:$0x3FB2] =	sst s5  }
0xe: {  	[smem:$0x3FB3] =	sst s6  }
0xf: {  	[smem:$0x3FB4] =	sst s7  }
0x10: {  	[smem:$0x3FB5] =	sst s8  }
0x11: {  	[smem:$0x3FB6] =	sst s9;
	s0 =	simm.s32 @!p0 $0x0  }
0x12: {  	s1 =	sld [smem:$0x3F9C];
	s0 =	simm.s32 @p0 $0x1  }
0x13: {  	[smem:$0x3FB7] =	sst s0;
	s0 =	simm.s32 @!p1 $0x0  }
0x14: {  	s2 =	sld [smem:$0x3F9B];
	s0 =	simm.s32 @p1 $0x1  }
0x15: {  	[smem:$0x3FB8] =	sst s0;
	s0 =	simm.s32 @!p2 $0x0  }
0x16: {  	s3 =	sld [smem:$0x3FDB];
	s0 =	simm.s32 @p2 $0x1  }
0x17: {  	s4 =	simm.s32 $0x1BF5;
	[smem:$0x3FBA] =	sst s0  }
0x18: {  	s0 =	sld [smem:$0x3F9D];
	_ =	swait.ge [sflag:s4], $0x0  }
0x19: {  	s7 =	sld [smem:$0x3F9E]  }
0x1a: {  	s8 =	sadd.s32 $0xFFFFE003, lr  }
0x1b: {  	s9 =	sadd.s32 $0xFFFFFEF7, lr;
	s5 =	simm.s32 $0xFFFFFFFF;
	p2 =	slt.u32 s8, $0xFFFFF086  }
0x1c: {  	p1 =	slt.u32 s9, $0xF7A;
	s5 =	simm.s32 @!p2 $0x0  }
0x1d: {  	s5 =	simm.s32 @p1 $0x1;
	p0 =	seq.s32 s7, s2  }
0x1e: {  	s7 =	smul.u32 @!p0 $0xF7A, s2;
	p2 =	seq.s32 @!p0 s5, $0x0  }
0x1f: {  	s9 =	smul.u32 $0xF7A, s1;
	s8 =	simm.s32 @!p0 $0x1BF5;
	p2 =	por !p2, p0  }
0x20: {  	[sflag:s8] =	ssyncset.s32 @!p0 $0xFFFFF086;
	s6 =	sadd.s32 @!p0 s3, s7;
	s7 =	simm.s32 @!p0 $0x108  }
0x21: {  	s3 =	sadd.s32 s3, s9;
	s6 =	sadd.s32 @!p0 $0x88, s6;
	s7 =	simm.s32 @p2 $0x1082  }
0x22: {  	[simem:s7], [sflag:s8] =	dma.local @!p0 [hbm:s6], $0xF7A  }
0x23: {  	s9 =	sor.u32 $0xD0000000, s2;
	s6 =	simm.s32 $0x108;
	_ =	swait.ge @!p0 [sflag:s8], $0x0  }
0x24: {  	s3 =	sadd.s32 $0x88, s3;
	s6 =	simm.s32 @!p1 $0x1082;
	[sflag:s4] =	ssyncset.s32 $0xFFFFF086  }
0x25: {  	[simem:s6], [sflag:s4] =	dma.local [hbm:s3], $0xF7A  }
0x26: {  	[smem:$0x3F9E] =	sst s1;
	(tag) =	ssettag s2;
	_ =	strace s9  }
0x27: {  	s1 =	sld [smem:$0x3FAE]  }
0x28: {  	s2 =	sld [smem:$0x3FAF]  }
0x29: {  	s4 =	sld [smem:$0x3FB1]  }
0x2a: {  	p0 =	seq.s32 s5, $0x0;
	s5 =	sld [smem:$0x3FB2]  }
0x2b: {  	s6 =	sld [smem:$0x3FB3]  }
0x2c: {  	s7 =	sld [smem:$0x3FB4]  }
0x2d: {  	s3 =	simm.s32 $0x108;
	s8 =	sld [smem:$0x3FB5]  }
0x2e: {  	s3 =	simm.s32 @!p0 $0x1082;
	s9 =	sld [smem:$0x3FB6]  }
0x2f: {  	lr =	sadd.s32 s0, s3;
	s0 =	sld [smem:$0x3FAD]  }
0x30: {  	s3 =	sld [smem:$0x3FB0]  }
0x31: {  	[smem:$0x3FB9] =	sst s10  }
0x32: {  	s10 =	sld [smem:$0x3FB7];
	_ =	sdelay $0x3  }
0x33: {  	p0 =	seq.s32 s10, $0x1;
	s10 =	sld [smem:$0x3FB9];
	_ =	sdelay $0x3  }
0x34: {  	[smem:$0x3FB9] =	sst s10  }
0x35: {  	s10 =	sld [smem:$0x3FB8];
	_ =	sdelay $0x3  }
0x36: {  	p1 =	seq.s32 s10, $0x1;
	s10 =	sld [smem:$0x3FB9];
	_ =	sdelay $0x3  }
0x37: {  	[smem:$0x3FB9] =	sst s10  }
0x38: {  	s10 =	sld [smem:$0x3FBA]  }
0x39: {  	_ = 	snop;
	(pc) =	sbr.ind lr, $3  }
0x3a: {  	_ = 	snop  }
0x3b: {  	_ = 	snop  }
0x3c: {  	p2 =	seq.s32 s10, $0x1;
	s10 =	sld [smem:$0x3FB9]  }
0x3d: {  	_ =	shalt  }
0x3e: {  	_ =	shalt  }
0x3f: {  	_ =	shalt  }
0x40: {  	_ =	shalt  }
0x41: {  	_ =	shalt  }
0x42: {  	_ =	shalt  }
0x43: {  	_ =	shalt  }
0x44: {  	_ =	shalt  }
0x45: {  	_ =	shalt  }
0x46: {  	_ =	shalt  }
0x47: {  	_ =	shalt  }
0x48: {  	_ =	shalt  }
0x49: {  	_ =	shalt  }
0x4a: {  	_ =	shalt  }
0x4b: {  	_ =	shalt  }
0x4c: {  	_ =	shalt  }
0x4d: {  	_ =	shalt  }
0x4e: {  	_ =	shalt  }
0x4f: {  	_ =	shalt  }
0x50: {  	_ =	shalt  }
0x51: {  	_ =	shalt  }
0x52: {  	_ =	shalt  }
0x53: {  	_ =	shalt  }
0x54: {  	_ =	shalt  }
0x55: {  	_ =	shalt  }
0x56: {  	_ =	shalt  }
0x57: {  	_ =	shalt  }
0x58: {  	_ =	shalt  }
0x59: {  	_ =	shalt  }
0x5a: {  	_ =	shalt  }
0x5b: {  	_ =	shalt  }
0x5c: {  	_ =	shalt  }
0x5d: {  	_ =	shalt  }
0x5e: {  	_ =	shalt  }
0x5f: {  	_ =	shalt  }
0x60: {  	_ =	shalt  }
0x61: {  	_ =	shalt  }
0x62: {  	_ =	shalt  }
0x63: {  	_ =	shalt  }
0x64: {  	_ =	shalt  }
0x65: {  	_ =	shalt  }
0x66: {  	_ =	shalt  }
0x67: {  	_ =	shalt  }
0x68: {  	_ =	shalt  }
0x69: {  	_ =	shalt  }
0x6a: {  	_ =	shalt  }
0x6b: {  	_ =	shalt  }
0x6c: {  	_ =	shalt  }
0x6d: {  	_ =	shalt  }
0x6e: {  	_ =	shalt  }
0x6f: {  	_ =	shalt  }
0x70: {  	_ =	shalt  }
0x71: {  	_ =	shalt  }
0x72: {  	_ =	shalt  }
0x73: {  	_ =	shalt  }
0x74: {  	_ =	shalt  }
0x75: {  	_ =	shalt  }
0x76: {  	_ =	shalt  }
0x77: {  	_ =	shalt  }
0x78: {  	_ =	shalt  }
0x79: {  	_ =	shalt  }
0x7a: {  	_ =	shalt  }
0x7b: {  	_ =	shalt  }
0x7c: {  	_ =	shalt  }
0x7d: {  	_ =	shalt  }
0x7e: {  	_ =	shalt  }
0x7f: {  	_ =	shalt  }
0x80: {  	_ =	shalt  }
0x81: {  	_ =	shalt  }
0x82: {  	_ =	shalt  }
0x83: {  	_ =	shalt  }
0x84: {  	_ =	shalt  }
0x85: {  	_ =	shalt  }
0x86: {  	_ =	shalt  }
0x87: {  	_ =	shalt  }
.Lfunc_end0:
.L_simem_size_0:
called_computation_lowered:
.L_overlay_start_0:
0x88: {  	s2 =	sld [smem:$0x3FD9]  }
0x89: {  	s3 =	sld [smem:$0x3FFE];
	_ =	sdelay $0x1  }
0x8a: {  	s1 =	srdreg.scid  }
0x8b: {  	s0 =	sand.u32 $0x1, s1  }
0x8c: {  	s14 =	sshll.u32 s0, $0xA;
	s2 =	sadd.s32 s3, s2  }
0x8d: {  	s2 =	sadd.s32 s2, s14  }
0x8e: {  	[smem:$0x3FC5] =	sst s2  }
0x8f: {  	_ = 	snop  }
0x90: {  	s2 =	sld [smem:$0x3FD0];
	_ =	sdelay $0x1  }
0x91: {  	s15 =	sld [smem:$0x3FC9]  }
0x92: {  	s5 =	simm.s32 $0xA;
	s6 =	simm.s32 $0x10;
	s4 =	sld [smem:$0x3FC7]  }
0x93: {  	[smem:s6], [sflag:s5] =	dma.local [hbm:s2], $0x1  }
0x94: {  	_ =	swait.eq [sflag:s5], $0x1  }
0x95: {  	[sflag:s5] =	ssyncset.done $0x0  }
0x96: {  	s16 =	sld [smem:$0x10];
	[sflag:s5] =	ssyncadd.s32 $0xFFFFFFFF  }
0x97: {  	s17 =	sld [smem:$0x11];
	(tm) =	ssettm $0x1  }
0x98: {  	s18 =	sld [smem:$0x3FFB];
	_ =	sdelay $0x3  }
0x99: {  	_ =	strace s18  }
0x9a: {  	s6 =	sld [smem:$0x3FFC];
	_ =	sdelay $0x3  }
0x9b: {  	_ =	strace s6  }
0x9c: {  	s6 =	sld [smem:$0x3FFD];
	_ =	sdelay $0x3  }
0x9d: {  	_ =	strace s6  }
0x9e: {  	_ =	strace $0x8FFFFFFF  }
0x9f: {  	s19 =	sld [smem:$0x3FDB];
	_ =	sdelay $0x1  }
0xa0: {  	s7 =	simm.s32 $_scs_section_size  }
0xa1: {  	s8 =	simm.s32 $_size__tile_overlayer_lowered;
	s9 =	simm.s32 $_tile_overlayer_lowered  }
0xa2: {  	s22 =	simm.s32 $0x1BFF;
	s21 =	sshll.u32 s9, $0x1;
	s6 =	sadd.s32 s7, s19  }
0xa3: {  	s10 =	simm.s32 $0x0;
	s20 =	sshll.u32 s8, $0x1;
	s8 =	sadd.s32 s21, s6  }
0xa4: {  	[timem:s10], [sflag:s22] =	dma.local [hbm:s8], s20  }
0xa5: {  	_ =	swait.ge [sflag:s22], s20  }
0xa6: {  	s7 =	ssub.s32 $0x0, s20;
	[sflag:s22] =	ssyncset.done $0x0  }
0xa7: {  	[sflag:s22] =	ssyncadd.s32 s7;
	_ =	sdelay $0x1  }
0xa8: {  	s23 =	simm.s32 $0x1B8B  }
0xa9: {  	_ =	swait.ge [sflag:s23], $0x1  }
0xaa: {  	[sflag:s23] =	ssyncset.done $0x0  }
0xab: {  	s25 =	simm.s32 $0x1B8E;
	s24 =	sld [smem:$0x3FFE];
	[sflag:s23] =	ssyncadd.s32 $0xFFFFFFFF  }
0xac: {  	s26 =	simm.s32 $execute0_lowered;
	[smem:$0x3FD2] =	sst s25  }
0xad: {  	s8 =	sshll.u32 s26, $0x1;
	_ =	strace $0x80000046;
	[dreg:$0x1] =	wrdreg $0xFFFFFFFF  }
0xae: {  	s28 =	simm.s32 $_size_execute0_lowered;
	s6 =	sadd.s32 s6, s8;
	[dreg:$0x0] =	wrdreg $0x0  }
0xaf: {  	s8 =	sshll.u32 s28, $0x1;
	[dreg:$0x2] =	wrdreg s6  }
0xb0: {  	[dreg:$0x3] =	wrdreg s8  }
0xb1: {  	[dreg:$0x4] =	wrdreg $0xC0  }
0xb2: {  	_ =	task [dreg:s10], $0x5FFFF  }
0xb3: {  	[dreg:$0x1] =	wrdreg $0xFFFFFFFF  }
0xb4: {  	[dreg:$0x0] =	wrdreg $0x60  }
0xb5: {  	[dreg:$0x2] =	wrdreg s15  }
0xb6: {  	[dreg:$0x3] =	wrdreg s24  }
0xb7: {  	[dreg:$0x4] =	wrdreg s4  }
0xb8: {  	[dreg:$0x5] =	wrdreg s16  }
0xb9: {  	[dreg:$0x6] =	wrdreg s17  }
0xba: {  	[dreg:$0x7] =	wrdreg $0x9  }
0xbb: {  	_ =	task.clear_ibuf [dreg:s10], $0x8FFFF;
	_ =	strace $0x90000046  }
0xbc: {  	s29 =	simm.s32 $0x9;
	_ =	strace $0x80000048  }
0xbd: {  	_ =	swait.ge [sflag:s29], $0x1  }
0xbe: {  	[sflag:s29] =	ssyncadd.s32 $0xFFFFFFFF  }
0xbf: {  	_ =	strace $0x90000048  }
0xc0: {  	_ =	sfence  }
0xc1: {  	s30 =	sld [smem:$0x0];
	_ =	sdelay $0x2  }
0xc2: {  	s31 =	sshll.u32 s1, $0xD;
	s1 =	sshrl.u32 s1, $0x2  }
0xc3: {  	s3 =	sand.u32 $0x4000, s31;
	s1 =	sadd.s32 s1, s30  }
0xc4: {  	s0 =	sor.u32 s3, s0;
	s1 =	sshll.u32 s1, $0x11  }
0xc5: {  	s0 =	sor.u32 s1, s0  }
0xc6: {  	s0 =	sadd.s32 $0x8F2B, s0  }
0xc7: {  	[sflag:s0] =	ssyncadd.remote.s32 $0x1  }
0xc8: {  	_ =	sfence.sel $0xFFFF  }
0xc9: {  	[dreg:$0x0] =	wrdreg $0xFFFFFFFF;
	(pc) =	sbr.abs _section_cstart, $3  }
0xca: {  	[dreg:$0x1] =	wrdreg $0xFFFFFFFF  }
0xcb: {  	_ =	task.clear_ibuf [dreg:s10], $0x2FFFF;
	_ =	strace $0x9FFFFFFF  }
0xcc: {  	(tm) =	ssettm $0x7FFFFFFF  }
0xcd: {  	_ =	shalt  }
tec
execute0_lowered:
.L_overlay_start_1:
0x0: {  	(tag) =	ssettag $0x1  }
0x1: {  	s0 =	rddreg [dreg:$0x0]  }
0x2: {  	s2 =	rddreg [dreg:$0x1]  }
0x3: {  	s1 =	rddreg [dreg:$0x2]  }
0x4: {  	s3 =	srdreg.scid;
	s5 =	rddreg [dreg:$0x3]  }
0x5: {  	s12 =	stileid.u32;
	s7 =	rddreg [dreg:$0x4];
	s29 =	simm.s32 $0x16A00  }
0x6: {  	s31 =	simm.s32 $0x1AA00;
	s28 =	simm.s32 $0x4;
	s30 =	simm.s32 $0xA  }
0x7: {  	s13 =	simm.s32 $0x0;
	s4 =	sand.u32 $0x1, s3;
	s14 =	sshll.u32 s12, $0x1  }
0x8: {  	s3 =	simm.s32 $0x0;
	s20 =	smul.u32 $0x50000, s12;
	s6 =	sor.u32 s4, s14  }
0x9: {  	[smem:$0x7FF] =	sst s3;
	s9 =	ssub.s32 $0x2, s4;
	s4 =	smul.u32 $0x28000, s4  }
0xa: {  	s12 =	simm.s32 $0xE;
	s8 =	smul.u32 $0x2800, s6;
	_ =	strace $0x80000047  }
0xb: {  	s15 =	sshrl.u32 s9, $0x1;
	s10 =	sshll.u32 s6, $0x6;
	s11 =	sshll.u32 s6, $0xD  }
0xc: {  	s6 =	smul.u32 $0x140000, s6;
	s0 =	sadd.s32 s0, s10;
	s5 =	sadd.s32 s5, s11  }
0xd: {  	s10 =	simm.s32 $0xD;
	s11 =	simm.s32 $0x9;
	s8 =	sshrl.u32 s8, $0x3  }
0xe: {  	[dreg:$0x6] =	wrdreg s0;
	s17 =	sadd.s32 $0x800, s5;
	s18 =	sshrl.u32 s6, $0x3  }
0xf: {  	s19 =	sadd.s32 $0x1000, s5;
	[dreg:$0x7] =	wrdreg s5;
	s5 =	sadd.s32 $0x1800, s5  }
0x10: {  	s6 =	simm.s32 $0xB;
	s2 =	sadd.s32 s8, s2;
	[dreg:$0x9] =	wrdreg s17  }
0x11: {  	s8 =	ssub.s32 s9, s15;
	[dreg:$0xa] =	wrdreg s19;
	s0 =	sadd.s32 s7, s18  }
0x12: {  	[dreg:$0xb] =	wrdreg s5;
	s17 =	simm.s32 $0xF;
	s16 =	sadd.s32 $0x800, s2  }
0x13: {  	s19 =	simm.s32 $0x80;
	s21 =	sadd.s32 $0x25800, s0;
	[dreg:$0x8] =	wrdreg s16  }
0x14: {  	s9 =	simm.s32 $0x8;
	s22 =	sadd.s32 $0x26000, s0;
	[dreg:$0xc] =	wrdreg s21  }
0x15: {  	s23 =	sadd.s32 $0x26800, s0;
	s2 =	sadd.s32 s20, s7;
	[dreg:$0xd] =	wrdreg s22  }
0x16: {  	s24 =	sadd.s32 $0x27000, s0;
	s0 =	sadd.s32 $0x27800, s0;
	[dreg:$0xe] =	wrdreg s23  }
0x17: {  	s26 =	smax.u32 s8, $0x1;
	s20 =	simm.s32 $0x2A00;
	[dreg:$0xf] =	wrdreg s24  }
0x18: {  	s7 =	simm.s32 $0x7;
	s8 =	simm.s32 $0xC;
	[dreg:$0x10] =	wrdreg s0  }
0x19: {  	s25 =	sadd.s32 s4, s2;
	[dreg:$0x11] =	wrdreg s26;
	s21 =	simm.s32 $0x6A00  }
0x1a: {  	s22 =	simm.s32 $0xAA00;
	s24 =	simm.s32 $0xEA00;
	s26 =	simm.s32 $0x12A00  }
0x1b: {  	s2 =	simm.s32 $0x1;
	s0 =	simm.s32 $0x3;
	s23 =	simm.s32 $0x5  }
0x1c: {  	s4 =	simm.s32 $0x6;
	s16 =	sadd.s32 $0x2000, s25;
	s25 =	simm.s32 $0x2  }
.LBB2_1:
0x1d: {  	s5 =	rddreg [dreg:$0x6]  }
0x1e: {  	[tilespmem:s3], [sflag:$0xF] =	stream.linear.gather [hbm4b:s5+s3], $0x200, $0x38;
	[tilespmem:$0x1EA00] =	vst v63  }
0x1f: {  	_ =	swait.ge [sflag:s17], $0x200  }
0x20: {  	[sflag:s17] =	ssyncset.done $0x0  }
0x21: {  	s14 =	simm.s32 $0x200;
	s18 =	rddreg [dreg:$0x8];
	[sflag:s17] =	ssyncadd.s32 $0xFFFFFE00  }
0x22: {  	[tilespmem:s14], [sflag:$0xF] =	stream.linear.gather [hbm4b:s18+s3], $0x2800, $0x38;
	[tilespmem:$0x1EA00] =	vst v63  }
0x23: {  	_ =	swait.ge [sflag:s17], $0x2800  }
0x24: {  	[sflag:s17] =	ssyncset.done $0x0  }
0x25: {  	[sflag:s17] =	ssyncadd.s32 $0xFFFFD800  }
0x26: {  	[tilespmem:s20], [sflag:$0x1] =	stream.indirect.gather [hbm4b:s1+s19], $0x80, s3, s19, $0xb8;
	[tilespmem:$0x1EA00] =	vst v63  }
0x27: {  	_ = 	snop  }
0x28: {  	[tilespmem:s21], [sflag:$0x2] =	stream.indirect.gather [hbm4b:s1+s19], $0x80, s19, s19, $0xb8;
	[tilespmem:$0x1EA00] =	vst v63  }
0x29: {  	_ = 	snop  }
0x2a: {  	[tilespmem:s22], [sflag:$0x5] =	stream.indirect.gather [hbm4b:s1+s19], $0x80, s14, s19, $0xb8;
	[tilespmem:$0x1EA00] =	vst v63  }
0x2b: {  	s14 =	simm.s32 $0x280  }
0x2c: {  	[tilespmem:s24], [sflag:$0x6] =	stream.indirect.gather [hbm4b:s1+s19], $0x80, s14, s19, $0xb8;
	[tilespmem:$0x1EA00] =	vst v63  }
0x2d: {  	s15 =	simm.s32 $0x300  }
0x2e: {  	[tilespmem:s26], [sflag:$0x7] =	stream.indirect.gather [hbm4b:s1+s19], $0x80, s15, s19, $0xb8;
	[tilespmem:$0x1EA00] =	vst v63  }
0x2f: {  	s18 =	simm.s32 $0x380  }
0x30: {  	[tilespmem:s29], [sflag:$0x8] =	stream.indirect.gather [hbm4b:s1+s19], $0x80, s18, s19, $0xb8;
	[tilespmem:$0x1EA00] =	vst v63  }
0x31: {  	s14 =	simm.s32 $0x400  }
0x32: {  	[tilespmem:s31], [sflag:$0x9] =	stream.indirect.gather [hbm4b:s1+s19], $0x80, s14, s19, $0xb8;
	[tilespmem:$0x1EA00] =	vst v63  }
0x33: {  	_ =	swait.ge [sflag:s2], $0x4000  }
0x34: {  	[sflag:s2] =	ssyncset.done $0x0  }
0x35: {  	s15 =	rddreg [dreg:$0x7];
	[sflag:s2] =	ssyncadd.s32 $0xFFFFC000  }
0x36: {  	[hbm4b:s15+s3] =	stream.linear.scatter [tilespmem:s20], [sflag:$0x3], $0x4000, $0x38;
	[tilespmem:$0x1EA00] =	vst v63  }
0x37: {  	_ =	swait.ge [sflag:s0], $0x4000  }
0x38: {  	[sflag:s0] =	ssyncset.done $0x0  }
0x39: {  	s18 =	simm.s32 $0x100;
	[sflag:s0] =	ssyncadd.s32 $0xFFFFC000  }
0x3a: {  	[tilespmem:s20], [sflag:$0x1] =	stream.indirect.gather [hbm4b:s1+s19], $0x80, s18, s19, $0xb8;
	[tilespmem:$0x1EA00] =	vst v63  }
0x3b: {  	_ =	swait.ge [sflag:s25], $0x4000  }
0x3c: {  	[sflag:s25] =	ssyncset.done $0x0  }
0x3d: {  	s14 =	rddreg [dreg:$0x9];
	[sflag:s25] =	ssyncadd.s32 $0xFFFFC000  }
0x3e: {  	[hbm4b:s14+s3] =	stream.linear.scatter [tilespmem:s21], [sflag:$0x4], $0x4000, $0x38;
	[tilespmem:$0x1EA00] =	vst v63  }
0x3f: {  	_ =	swait.ge [sflag:s28], $0x4000  }
0x40: {  	[sflag:s28] =	ssyncset.done $0x0  }
0x41: {  	s15 =	simm.s32 $0x180;
	[sflag:s28] =	ssyncadd.s32 $0xFFFFC000  }
0x42: {  	[tilespmem:s21], [sflag:$0x2] =	stream.indirect.gather [hbm4b:s1+s19], $0x80, s15, s19, $0xb8;
	[tilespmem:$0x1EA00] =	vst v63  }
0x43: {  	_ =	swait.ge [sflag:s2], $0x4000  }
0x44: {  	[sflag:s2] =	ssyncset.done $0x0  }
0x45: {  	s18 =	rddreg [dreg:$0xa];
	[sflag:s2] =	ssyncadd.s32 $0xFFFFC000  }
0x46: {  	[hbm4b:s18+s3] =	stream.linear.scatter [tilespmem:s20], [sflag:$0x3], $0x4000, $0x38;
	[tilespmem:$0x1EA00] =	vst v63  }
0x47: {  	_ =	swait.ge [sflag:s25], $0x4000  }
0x48: {  	[sflag:s25] =	ssyncset.done $0x0  }
0x49: {  	s14 =	rddreg [dreg:$0xb];
	[sflag:s25] =	ssyncadd.s32 $0xFFFFC000  }
0x4a: {  	[hbm4b:s14+s3] =	stream.linear.scatter [tilespmem:s21], [sflag:$0x4], $0x4000, $0x38;
	[tilespmem:$0x1EA00] =	vst v63  }
0x4b: {  	_ =	swait.ge [sflag:s0], $0x4000  }
0x4c: {  	[sflag:s0] =	ssyncset.done $0x0  }
0x4d: {  	[sflag:s0] =	ssyncadd.s32 $0xFFFFC000  }
0x4e: {  	_ =	swait.ge [sflag:s28], $0x4000  }
0x4f: {  	[sflag:s28] =	ssyncset.done $0x0  }
0x50: {  	[sflag:s28] =	ssyncadd.s32 $0xFFFFC000  }
0x51: {  	_ =	swait.ge [sflag:s23], $0x4000  }
0x52: {  	[sflag:s23] =	ssyncset.done $0x0  }
0x53: {  	s15 =	sadd.s32 $0xFFFFE000, s16;
	[sflag:s23] =	ssyncadd.s32 $0xFFFFC000  }
0x54: {  	[hbm4b:s15+s3] =	stream.linear.scatter [tilespmem:s22], [sflag:$0xA], $0x4000, $0x38;
	[tilespmem:$0x1EA00] =	vst v63  }
0x55: {  	_ =	swait.ge [sflag:s30], $0x4000  }
0x56: {  	[sflag:s30] =	ssyncset.done $0x0  }
0x57: {  	s18 =	simm.s32 $0x480;
	[sflag:s30] =	ssyncadd.s32 $0xFFFFC000  }
0x58: {  	[tilespmem:s22], [sflag:$0x5] =	stream.indirect.gather [hbm4b:s1+s19], $0x80, s18, s19, $0xb8;
	[tilespmem:$0x1EA00] =	vst v63  }
0x59: {  	_ =	swait.ge [sflag:s4], $0x4000  }
0x5a: {  	[sflag:s4] =	ssyncset.done $0x0  }
0x5b: {  	s5 =	sadd.s32 $0xFFFFE800, s16;
	[sflag:s4] =	ssyncadd.s32 $0xFFFFC000  }
0x5c: {  	[hbm4b:s5+s3] =	stream.linear.scatter [tilespmem:s24], [sflag:$0xB], $0x4000, $0x38;
	[tilespmem:$0x1EA00] =	vst v63  }
0x5d: {  	_ =	swait.ge [sflag:s6], $0x4000  }
0x5e: {  	[sflag:s6] =	ssyncset.done $0x0  }
0x5f: {  	s15 =	simm.s32 $0x500;
	[sflag:s6] =	ssyncadd.s32 $0xFFFFC000  }
0x60: {  	[tilespmem:s24], [sflag:$0x6] =	stream.indirect.gather [hbm4b:s1+s19], $0x80, s15, s19, $0xb8;
	[tilespmem:$0x1EA00] =	vst v63  }
0x61: {  	_ =	swait.ge [sflag:s7], $0x4000  }
0x62: {  	[sflag:s7] =	ssyncset.done $0x0  }
0x63: {  	s18 =	sadd.s32 $0xFFFFF000, s16;
	[sflag:s7] =	ssyncadd.s32 $0xFFFFC000  }
0x64: {  	[hbm4b:s18+s3] =	stream.linear.scatter [tilespmem:s26], [sflag:$0xC], $0x4000, $0x38;
	[tilespmem:$0x1EA00] =	vst v63  }
0x65: {  	_ =	swait.ge [sflag:s8], $0x4000  }
0x66: {  	[sflag:s8] =	ssyncset.done $0x0  }
0x67: {  	s5 =	simm.s32 $0x580;
	[sflag:s8] =	ssyncadd.s32 $0xFFFFC000  }
0x68: {  	[tilespmem:s26], [sflag:$0x7] =	stream.indirect.gather [hbm4b:s1+s19], $0x80, s5, s19, $0xb8;
	[tilespmem:$0x1EA00] =	vst v63  }
0x69: {  	_ =	swait.ge [sflag:s9], $0x4000  }
0x6a: {  	[sflag:s9] =	ssyncset.done $0x0  }
0x6b: {  	s15 =	sadd.s32 $0xFFFFF800, s16;
	[sflag:s9] =	ssyncadd.s32 $0xFFFFC000  }
0x6c: {  	[hbm4b:s15+s3] =	stream.linear.scatter [tilespmem:s29], [sflag:$0xD], $0x4000, $0x38;
	[tilespmem:$0x1EA00] =	vst v63  }
0x6d: {  	_ =	swait.ge [sflag:s10], $0x4000  }
0x6e: {  	[sflag:s10] =	ssyncset.done $0x0  }
0x6f: {  	s18 =	simm.s32 $0x600;
	[sflag:s10] =	ssyncadd.s32 $0xFFFFC000  }
0x70: {  	[tilespmem:s29], [sflag:$0x8] =	stream.indirect.gather [hbm4b:s1+s19], $0x80, s18, s19, $0xb8;
	[tilespmem:$0x1EA00] =	vst v63  }
0x71: {  	_ =	swait.ge [sflag:s11], $0x4000  }
0x72: {  	[sflag:s11] =	ssyncset.done $0x0  }
0x73: {  	[sflag:s11] =	ssyncadd.s32 $0xFFFFC000  }
0x74: {  	[hbm4b:s16+s3] =	stream.linear.scatter [tilespmem:s31], [sflag:$0xE], $0x4000, $0x38;
	[tilespmem:$0x1EA00] =	vst v63  }
0x75: {  	_ =	swait.ge [sflag:s12], $0x4000  }
0x76: {  	s14 =	simm.s32 $0xA00;
	[sflag:s12] =	ssyncset.done $0x0  }
0x77: {  	s15 =	simm.s32 $0x680;
	s18 =	sadd.s32 $0x2800, s16;
	[sflag:s12] =	ssyncadd.s32 $0xFFFFC000  }
.LBB2_2:
0x78: {  	[tilespmem:s31], [sflag:$0x9] =	stream.indirect.gather [hbm4b:s1+s19], $0x80, s15, s19, $0xb8;
	[tilespmem:$0x1EA00] =	vst v63  }
0x79: {  	s15 =	smov.u32 s14  }
0x7a: {  	p0 =	sne.s32 s14, $0x8C00;
	s14 =	sadd.s32 $0xA00, s14;
	_ =	swait.ge [sflag:s23], $0x4000  }
0x7b: {  	[sflag:s23] =	ssyncset.done $0x0  }
0x7c: {  	s5 =	sadd.s32 $0xFFFFE000, s18;
	[sflag:s23] =	ssyncadd.s32 $0xFFFFC000  }
0x7d: {  	[hbm4b:s5+s3] =	stream.linear.scatter [tilespmem:s22], [sflag:$0xA], $0x4000, $0x38;
	[tilespmem:$0x1EA00] =	vst v63  }
0x7e: {  	_ =	swait.ge [sflag:s30], $0x4000  }
0x7f: {  	s15 =	sshra.s32 s15, $0x2;
	[sflag:s30] =	ssyncset.done $0x0  }
0x80: {  	s5 =	sadd.s32 $0x480, s15;
	[sflag:s30] =	ssyncadd.s32 $0xFFFFC000  }
0x81: {  	[tilespmem:s22], [sflag:$0x5] =	stream.indirect.gather [hbm4b:s1+s19], $0x80, s5, s19, $0xb8;
	[tilespmem:$0x1EA00] =	vst v63  }
0x82: {  	_ =	swait.ge [sflag:s4], $0x4000  }
0x83: {  	[sflag:s4] =	ssyncset.done $0x0  }
0x84: {  	s5 =	sadd.s32 $0xFFFFE800, s18;
	[sflag:s4] =	ssyncadd.s32 $0xFFFFC000  }
0x85: {  	[hbm4b:s5+s3] =	stream.linear.scatter [tilespmem:s24], [sflag:$0xB], $0x4000, $0x38;
	[tilespmem:$0x1EA00] =	vst v63  }
0x86: {  	_ =	swait.ge [sflag:s6], $0x4000  }
0x87: {  	[sflag:s6] =	ssyncset.done $0x0  }
0x88: {  	s5 =	sadd.s32 $0x500, s15;
	[sflag:s6] =	ssyncadd.s32 $0xFFFFC000  }
0x89: {  	[tilespmem:s24], [sflag:$0x6] =	stream.indirect.gather [hbm4b:s1+s19], $0x80, s5, s19, $0xb8;
	[tilespmem:$0x1EA00] =	vst v63  }
0x8a: {  	_ =	swait.ge [sflag:s7], $0x4000  }
0x8b: {  	[sflag:s7] =	ssyncset.done $0x0  }
0x8c: {  	s5 =	sadd.s32 $0xFFFFF000, s18;
	[sflag:s7] =	ssyncadd.s32 $0xFFFFC000  }
0x8d: {  	[hbm4b:s5+s3] =	stream.linear.scatter [tilespmem:s26], [sflag:$0xC], $0x4000, $0x38;
	[tilespmem:$0x1EA00] =	vst v63  }
0x8e: {  	_ =	swait.ge [sflag:s8], $0x4000  }
0x8f: {  	[sflag:s8] =	ssyncset.done $0x0  }
0x90: {  	s5 =	sadd.s32 $0x580, s15;
	[sflag:s8] =	ssyncadd.s32 $0xFFFFC000  }
0x91: {  	[tilespmem:s26], [sflag:$0x7] =	stream.indirect.gather [hbm4b:s1+s19], $0x80, s5, s19, $0xb8;
	[tilespmem:$0x1EA00] =	vst v63  }
0x92: {  	_ =	swait.ge [sflag:s9], $0x4000  }
0x93: {  	[sflag:s9] =	ssyncset.done $0x0  }
0x94: {  	s5 =	sadd.s32 $0xFFFFF800, s18;
	[sflag:s9] =	ssyncadd.s32 $0xFFFFC000  }
0x95: {  	[hbm4b:s5+s3] =	stream.linear.scatter [tilespmem:s29], [sflag:$0xD], $0x4000, $0x38;
	[tilespmem:$0x1EA00] =	vst v63  }
0x96: {  	_ =	swait.ge [sflag:s10], $0x4000  }
0x97: {  	[sflag:s10] =	ssyncset.done $0x0  }
0x98: {  	s5 =	sadd.s32 $0x600, s15;
	[sflag:s10] =	ssyncadd.s32 $0xFFFFC000  }
0x99: {  	[tilespmem:s29], [sflag:$0x8] =	stream.indirect.gather [hbm4b:s1+s19], $0x80, s5, s19, $0xb8;
	[tilespmem:$0x1EA00] =	vst v63  }
0x9a: {  	_ =	swait.ge [sflag:s11], $0x4000  }
0x9b: {  	[sflag:s11] =	ssyncset.done $0x0  }
.Ltmp0:
0x9c: {  	[sflag:s11] =	ssyncadd.s32 $0xFFFFC000;
	(pc) =	sbr.rel @p0 .LBB2_2-.Ltmp0, $4  }
0x9d: {  	[hbm4b:s18+s3] =	stream.linear.scatter [tilespmem:s31], [sflag:$0xE], $0x4000, $0x38;
	[tilespmem:$0x1EA00] =	vst v63  }
0x9e: {  	_ =	swait.ge [sflag:s12], $0x4000  }
0x9f: {  	[sflag:s12] =	ssyncset.done $0x0  }
0xa0: {  	s15 =	sadd.s32 $0x680, s15;
	s18 =	sadd.s32 $0x2800, s18;
	[sflag:s12] =	ssyncadd.s32 $0xFFFFC000  }
0xa1: {  	[tilespmem:s31], [sflag:$0x9] =	stream.indirect.gather [hbm4b:s1+s19], $0x80, s15, s19, $0xb8;
	[tilespmem:$0x1EA00] =	vst v63  }
0xa2: {  	_ =	swait.ge [sflag:s23], $0x4000  }
0xa3: {  	[sflag:s23] =	ssyncset.done $0x0  }
0xa4: {  	s5 =	rddreg [dreg:$0xc];
	[sflag:s23] =	ssyncadd.s32 $0xFFFFC000  }
0xa5: {  	[hbm4b:s5+s3] =	stream.linear.scatter [tilespmem:s22], [sflag:$0xA], $0x4000, $0x38;
	[tilespmem:$0x1EA00] =	vst v63  }
0xa6: {  	_ =	swait.ge [sflag:s4], $0x4000  }
0xa7: {  	[sflag:s4] =	ssyncset.done $0x0  }
0xa8: {  	s15 =	rddreg [dreg:$0xd];
	[sflag:s4] =	ssyncadd.s32 $0xFFFFC000  }
0xa9: {  	[hbm4b:s15+s3] =	stream.linear.scatter [tilespmem:s24], [sflag:$0xB], $0x4000, $0x38;
	[tilespmem:$0x1EA00] =	vst v63  }
0xaa: {  	_ =	swait.ge [sflag:s7], $0x4000  }
0xab: {  	[sflag:s7] =	ssyncset.done $0x0  }
0xac: {  	s18 =	rddreg [dreg:$0xe];
	[sflag:s7] =	ssyncadd.s32 $0xFFFFC000  }
0xad: {  	[hbm4b:s18+s3] =	stream.linear.scatter [tilespmem:s26], [sflag:$0xC], $0x4000, $0x38;
	[tilespmem:$0x1EA00] =	vst v63  }
0xae: {  	_ =	swait.ge [sflag:s9], $0x4000  }
0xaf: {  	[sflag:s9] =	ssyncset.done $0x0  }
0xb0: {  	s14 =	rddreg [dreg:$0xf];
	[sflag:s9] =	ssyncadd.s32 $0xFFFFC000  }
0xb1: {  	[hbm4b:s14+s3] =	stream.linear.scatter [tilespmem:s29], [sflag:$0xD], $0x4000, $0x38;
	[tilespmem:$0x1EA00] =	vst v63  }
0xb2: {  	_ =	swait.ge [sflag:s11], $0x4000  }
0xb3: {  	[sflag:s11] =	ssyncset.done $0x0  }
0xb4: {  	s15 =	rddreg [dreg:$0x10];
	[sflag:s11] =	ssyncadd.s32 $0xFFFFC000  }
0xb5: {  	[hbm4b:s15+s3] =	stream.linear.scatter [tilespmem:s31], [sflag:$0xE], $0x4000, $0x38;
	[tilespmem:$0x1EA00] =	vst v63  }
0xb6: {  	_ =	swait.ge [sflag:s30], $0x4000  }
0xb7: {  	[sflag:s30] =	ssyncset.done $0x0  }
0xb8: {  	[sflag:s30] =	ssyncadd.s32 $0xFFFFC000  }
0xb9: {  	_ =	swait.ge [sflag:s6], $0x4000  }
0xba: {  	[sflag:s6] =	ssyncset.done $0x0  }
0xbb: {  	[sflag:s6] =	ssyncadd.s32 $0xFFFFC000  }
0xbc: {  	_ =	swait.ge [sflag:s8], $0x4000  }
0xbd: {  	[sflag:s8] =	ssyncset.done $0x0  }
0xbe: {  	[sflag:s8] =	ssyncadd.s32 $0xFFFFC000  }
0xbf: {  	_ =	swait.ge [sflag:s10], $0x4000  }
0xc0: {  	[sflag:s10] =	ssyncset.done $0x0  }
0xc1: {  	[sflag:s10] =	ssyncadd.s32 $0xFFFFC000  }
0xc2: {  	_ =	swait.ge [sflag:s12], $0x4000  }
0xc3: {  	s13 =	sadd.s32 $0x1, s13;
	s18 =	rddreg [dreg:$0x11]  }
0xc4: {  	p0 =	sne.s32 s13, s18  }
.Ltmp1:
0xc5: {  	_ = 	snop;
	(pc) =	sbr.rel @p0 .LBB2_1-.Ltmp1, $3  }
0xc6: {  	_ =	sdelay $0x1  }
0xc7: {  	[sflag:s12] =	ssyncset.done $0x0  }
0xc8: {  	[sflag:s12] =	ssyncadd.s32 $0xFFFFC000  }
0xc9: {  	_ =	sfence.sel $0x180000  }
0xca: {  	[bflag:$0x0] =	sbarrier.arrive $0xFFFF  }
0xcb: {  	_ =	strace $0x90000047  }
0xcc: {  	s0 =	stileid.u32;
	[bflag:$0x2] =	sbarrier.arrive $0xFFFF  }
0xcd: {  	p0 =	sne.s32 s0, $0x0;
	s0 =	rddreg [dreg:$0x5]  }
0xce: {  	s0 =	sadd.s32 @!p0 $0x100000, s0  }
0xcf: {  	[sflag:s0] =	ssyncadd.tile.s32 @!p0 $0x1;
	_ =	shalt  }
.Lfunc_end2:
_tile_overlayer_lowered:
.L_overlay_start_2:
0xd0: {  	(tag) =	ssettag $0x2  }
0xd1: {  	s0 =	rddreg [dreg:$0x0];
	s2 =	stileid.u32  }
0xd2: {  	s1 =	rddreg [dreg:$0x1];
	p0 =	sne.s32 s2, $0x0  }
0xd3: {  	s3 =	rddreg [dreg:$0x2];
	[bflag:$0x3] =	sbarrier.arrive $0xFFFF;
	s2 =	simm.s32 @!p0 $0x1C0F  }
0xd4: {  	[timem:s3], [sflag:s2] =	dma.local @!p0 [hbm:s0], s1  }
0xd5: {  	s0 =	simm.s32 @!p0 $0xF  }
0xd6: {  	_ =	swait.ge @!p0 [sflag:s0], s1  }
0xd7: {  	s1 =	ssub.s32 @!p0 $0x0, s1;
	[sflag:s0] =	ssyncset.done @!p0 $0x0  }
0xd8: {  	[sflag:s0] =	ssyncadd.s32 @!p0 s1  }
0xd9: {  	[bflag:$0x3] =	sbarrier.arrive $0xFFFF  }
0xda: {  	_ =	shalt  }

</sc_bundles>
